<compile_context>
chip_gen: v7x
topology: tpu7x:2x2x1
jax: 0.10.2.dev20260603
libtpu: 0.0.44.dev20260713+nightly
codegen_flags: <defaults>
</compile_context>

<pallas_src>
import functools

import jax
import jax.numpy as jnp
from jax import lax
from jax.experimental import pallas as pl
from jax.experimental.pallas import tpu as pltpu
from jax.experimental.pallas import tpu_sc as plsc

_DIM = 33
_DD = _DIM * _DIM
_TSZ = _DIM * _DIM * _DIM
_LUT_PAD = 107824
_BINSIZE = 1.000001 / (_DIM - 1)
_INV_BIN = 1.0 / _BINSIZE

_NC, _NS = 2, 16
_NW = _NC * _NS
_W = 512
_ROWS_W = 128
_CR = 2
_NCHUNK = _ROWS_W // _CR
_NH = _NCHUNK // 2
_L = 16
_NG = _W // _L

_GB_OFFS = (0, _DIM, _DD, _DD + _DIM)


def _lut_body(lut_hbm, x_hbm, out_hbm, lut_v,
              r0, g0, b0, r1, g1, b1,
              ro0, go0, bo0, ro1, go1, bo1,
              sem_i0, sem_i1, sem_o0, sem_o1):
    cid = lax.axis_index("c")
    sid = lax.axis_index("s")
    wid = sid * _NC + cid

    pltpu.sync_copy(lut_hbm, lut_v)

    img = wid // 4
    row0 = (wid % 4) * _ROWS_W
    ins = ((r0, g0, b0), (r1, g1, b1))
    outs = ((ro0, go0, bo0), (ro1, go1, bo1))
    isems = (sem_i0, sem_i1)
    osems = (sem_o0, sem_o1)

    def fire_in(k, bset, sem):
        rr = row0 + k * _CR
        for ch, dst in enumerate(bset):
            pltpu.async_copy(x_hbm.at[img, ch, pl.ds(rr, _CR), :], dst, sem)

    def wait_in(bset, sem):
        for dst in bset:
            pltpu.make_async_copy(
                x_hbm.at[0, 0, pl.ds(0, _CR), :], dst, sem).wait()

    def fire_out(k, bset, sem):
        rr = row0 + k * _CR
        for ch, src in enumerate(bset):
            pltpu.async_copy(src, out_hbm.at[img, ch, pl.ds(rr, _CR), :], sem)

    def wait_out(bset, sem):
        for ch, src in enumerate(bset):
            pltpu.make_async_copy(
                src, out_hbm.at[0, 0, pl.ds(0, _CR), :], sem).wait()

    def compute(in_b, out_b):
        r_v, g_v, b_v = in_b

        def row_body(j, _):
            def indices_of(i):
                s = pl.ds(i * _L, _L)
                r = r_v[j, s]
                g = g_v[j, s]
                b = b_v[j, s]
                rb = r * _INV_BIN
                gb = g * _INV_BIN
                bb = b * _INV_BIN
                ri = rb.astype(jnp.int32)
                gi = gb.astype(jnp.int32)
                bi = bb.astype(jnp.int32)
                r_d = rb - ri.astype(jnp.float32)
                g_d = gb - gi.astype(jnp.float32)
                b_d = bb - bi.astype(jnp.float32)
                r_id = jnp.minimum(jnp.maximum(ri, 0), _DIM - 2)
                g_id = jnp.minimum(jnp.maximum(gi, 0), _DIM - 2)
                b_id = jnp.minimum(jnp.maximum(bi, 0), _DIM - 2)
                id000 = r_id + g_id * _DIM + b_id * _DD
                return id000, r_d, g_d, b_d

            def group_body(i, carry):
                id000, r_d, g_d, b_d = carry
                nxt = indices_of(jnp.minimum(i + 1, _NG - 1))

                s = pl.ds(i * _L, _L)
                omr = 1.0 - r_d
                omg = 1.0 - g_d
                omb = 1.0 - b_d
                w00 = omr * omg
                w10 = r_d * omg
                w01 = omr * g_d
                w11 = r_d * g_d
                ws = (w00 * omb, w10 * omb, w01 * omb, w11 * omb,
                      w00 * b_d, w10 * b_d, w01 * b_d, w11 * b_d)

                for o_ref, cbase in ((out_b[0], id000),
                                     (out_b[1], id000 + _TSZ),
                                     (out_b[2], id000 + 2 * _TSZ)):
                    t = []
                    for k, o in enumerate(_GB_OFFS):
                        w32 = plsc.load_gather(lut_v, [cbase + o])
                        v_lo = plsc.bitcast(w32 << 16, jnp.float32)
                        v_hi = plsc.bitcast(w32, jnp.float32)
                        t.append(ws[2 * k] * v_lo)
                        t.append(ws[2 * k + 1] * v_hi)
                    o_ref[j, s] = ((t[0] + t[1]) + (t[2] + t[3])) + \
                                  ((t[4] + t[5]) + (t[6] + t[7]))
                return nxt

            lax.fori_loop(0, _NG, group_body, indices_of(0))
            return 0

        lax.fori_loop(0, _CR, row_body, 0)

    fire_in(0, ins[0], isems[0])

    def chunk_pair(kk, _):
        for p in range(2):
            k = kk * 2 + p
            if p == 0:
                fire_in(k + 1, ins[1], isems[1])
            wait_in(ins[p], isems[p])

            @pl.when(kk > 0)
            def _():
                wait_out(outs[p], osems[p])

            compute(ins[p], outs[p])
            fire_out(k, outs[p], osems[p])
            if p == 0:
                @pl.when(kk < _NH - 1)
                def _():
                    fire_in(k + 2, ins[0], isems[0])
        return 0

    lax.fori_loop(0, _NH, chunk_pair, 0)
    wait_out(outs[0], osems[0])
    wait_out(outs[1], osems[1])


def _pack_lut(LUT):
    lo = LUT.astype(jnp.bfloat16)
    hi = jnp.concatenate([lo[..., 1:], lo[..., -1:]], axis=-1)
    lo16 = lax.bitcast_convert_type(lo, jnp.uint16).astype(jnp.uint32)
    hi16 = lax.bitcast_convert_type(hi, jnp.uint16).astype(jnp.uint32)
    words = (lo16 | (hi16 << 16)).astype(jnp.int32).reshape(-1)
    return jnp.pad(words, (0, _LUT_PAD - 3 * _TSZ))


@jax.jit
def kernel(LUT, x):
    lut_flat = _pack_lut(LUT)

    mesh = plsc.VectorSubcoreMesh(
        core_axis_name="c", subcore_axis_name="s",
        num_cores=_NC, num_subcores=_NS)
    return pl.kernel(
        _lut_body,
        out_type=jax.ShapeDtypeStruct((8, 3, 512, 512), jnp.float32),
        mesh=mesh,
        compiler_params=pltpu.CompilerParams(needs_layout_passes=False),
        scratch_types=(
            [pltpu.VMEM((_LUT_PAD,), jnp.int32)]
            + [pltpu.VMEM((_CR, _W), jnp.float32) for _ in range(12)]
            + [pltpu.SemaphoreType.DMA for _ in range(4)]
        ),
    )(lut_flat, x)

# --- scband reference (transcript-rebuilt; emitter-appended) ---
"""Pipeline reference for scband-generator3-dlut-zero-43130061586455 (READ-ONLY COPY).

The authoritative reference and input builder live on the scoring server;
editing this copy changes nothing except your own understanding.
"""

import jax, jax.numpy as jnp
import numpy as np

DIM = 33

def setup_inputs(seed: int = 0) -> dict:
    key = jax.random.key(seed)
    k1, k2 = jax.random.split(key)
    x = jax.random.uniform(k1, (8, 3, 512, 512), dtype=jnp.float32)
    # Learned parameter: module inits to zeros; use small random values so the
    # gather/interp computation is numerically non-trivial.
    LUT = 0.01 * jax.random.normal(k2, (3, DIM, DIM, DIM), dtype=jnp.float32)
    return {"LUT": LUT, "x": x}


def _trilinear(LUT, x):
    dim = LUT.shape[-1]
    binsize = 1.000001 / (dim - 1)
    r = x[:, 0]
    g = x[:, 1]
    b = x[:, 2]
    r_idf = jnp.floor(r / binsize)
    g_idf = jnp.floor(g / binsize)
    b_idf = jnp.floor(b / binsize)
    r_d = r / binsize - r_idf
    g_d = g / binsize - g_idf
    b_d = b / binsize - b_idf
    r_id = jnp.clip(r_idf.astype(jnp.int32), 0, dim - 2)
    g_id = jnp.clip(g_idf.astype(jnp.int32), 0, dim - 2)
    b_id = jnp.clip(b_idf.astype(jnp.int32), 0, dim - 2)
    # flattened index layout matches the CUDA kernel: id = r + g*dim + b*dim*dim
    id000 = r_id + g_id * dim + b_id * dim * dim
    dd = dim * dim
    w000 = (1 - r_d) * (1 - g_d) * (1 - b_d)
    w100 = r_d * (1 - g_d) * (1 - b_d)
    w010 = (1 - r_d) * g_d * (1 - b_d)
    w110 = r_d * g_d * (1 - b_d)
    w001 = (1 - r_d) * (1 - g_d) * b_d
    w101 = r_d * (1 - g_d) * b_d
    w011 = (1 - r_d) * g_d * b_d
    w111 = r_d * g_d * b_d
    LUT_flat = LUT.reshape(3, -1)

    def interp(c):
        t = LUT_flat[c]
        return (w000 * jnp.take(t, id000)
                + w100 * jnp.take(t, id000 + 1)
                + w010 * jnp.take(t, id000 + dim)
                + w110 * jnp.take(t, id000 + dim + 1)
                + w001 * jnp.take(t, id000 + dd)
                + w101 * jnp.take(t, id000 + dd + 1)
                + w011 * jnp.take(t, id000 + dd + dim)
                + w111 * jnp.take(t, id000 + dd + dim + 1))

    return jnp.stack([interp(0), interp(1), interp(2)], axis=1)


def reference(LUT, x):
    return _trilinear(LUT, x)

if __name__ == "__main__":
    import jax
    _d = setup_inputs()
    print(jax.jit(kernel)(*tuple(_d.values())))

</pallas_src>

<mosaic_0001>
#map = affine_map<(d0, d1) -> (0)>
#map1 = affine_map<(d0, d1) -> (0, 0, 0, 0)>
module attributes {stable_mosaic.version = 14 : i64} {
  func.func @_lut_body(%arg0: i32, %arg1: i32, %arg2: memref<107824xi32, #tpu.memory_space<hbm>>, %arg3: memref<8x3x512x512xf32, #tpu.memory_space<hbm>>, %arg4: memref<8x3x512x512xf32, #tpu.memory_space<hbm>>, %arg5: memref<107824xi32, #tpu.memory_space<vmem>>, %arg6: memref<2x512xf32, #tpu.memory_space<vmem>>, %arg7: memref<2x512xf32, #tpu.memory_space<vmem>>, %arg8: memref<2x512xf32, #tpu.memory_space<vmem>>, %arg9: memref<2x512xf32, #tpu.memory_space<vmem>>, %arg10: memref<2x512xf32, #tpu.memory_space<vmem>>, %arg11: memref<2x512xf32, #tpu.memory_space<vmem>>, %arg12: memref<2x512xf32, #tpu.memory_space<vmem>>, %arg13: memref<2x512xf32, #tpu.memory_space<vmem>>, %arg14: memref<2x512xf32, #tpu.memory_space<vmem>>, %arg15: memref<2x512xf32, #tpu.memory_space<vmem>>, %arg16: memref<2x512xf32, #tpu.memory_space<vmem>>, %arg17: memref<2x512xf32, #tpu.memory_space<vmem>>, %arg18: memref<!tpu.dma_semaphore, #tpu.memory_space<semaphore_mem>>, %arg19: memref<!tpu.dma_semaphore, #tpu.memory_space<semaphore_mem>>, %arg20: memref<!tpu.dma_semaphore, #tpu.memory_space<semaphore_mem>>, %arg21: memref<!tpu.dma_semaphore, #tpu.memory_space<semaphore_mem>>) attributes {dimension_semantics = [#tpu.dimension_semantics<core_parallel>, #tpu.dimension_semantics<subcore_parallel>], iteration_bounds = array<i64: 2, 16>, scalar_prefetch = 0 : i64, scratch_operands = 17 : i64, tpu.core_type = #tpu.core_type<sc_vector_subcore>, window_params = [{transform_indices = #map}, {transform_indices = #map1}, {transform_indices = #map1}]} {
    %mul3A = arith.constant 2 : i32
    %mul3A_0 = arith.muli %arg1, %mul3A : i32
    %add3A = arith.addi %mul3A_0, %arg0 : i32
    "tpu.region"() ({
      %run_scoped3A = tpu.sem_alloc : memref<!tpu.dma_semaphore, #tpu.memory_space<semaphore_mem>>
      tpu.enqueue_dma source(%arg2 : memref<107824xi32, #tpu.memory_space<hbm>>) target(%arg5 : memref<107824xi32, #tpu.memory_space<vmem>>) target_semaphore(%run_scoped3A : memref<!tpu.dma_semaphore, #tpu.memory_space<semaphore_mem>>)
      tpu.wait_dma2 semaphore(%run_scoped3A : memref<!tpu.dma_semaphore, #tpu.memory_space<semaphore_mem>>) src(%arg2 : memref<107824xi32, #tpu.memory_space<hbm>>) dst(%arg5 : memref<107824xi32, #tpu.memory_space<vmem>>)
      tpu.yield
    }) : () -> ()
    %jit3A = arith.constant 4 : i32
    %div3A = arith.divsi %add3A, %jit3A : i32
    %sign3A = arith.constant 0 : i32
    %sign3A_1 = arith.cmpi sgt, %add3A, %sign3A : i32
    %sign3A_2 = arith.extui %sign3A_1 : i1 to i32
    %sign3A_3 = arith.constant 0 : i32
    %sign3A_4 = arith.cmpi slt, %add3A, %sign3A_3 : i32
    %sign3A_5 = arith.extui %sign3A_4 : i1 to i32
    %sign3A_6 = arith.subi %sign3A_2, %sign3A_5 : i32
    %sign3A_7 = arith.constant 0 : i32
    %sign3A_8 = arith.cmpi sgt, %jit3A, %sign3A_7 : i32
    %sign3A_9 = arith.extui %sign3A_8 : i1 to i32
    %sign3A_10 = arith.constant 0 : i32
    %sign3A_11 = arith.cmpi slt, %jit3A, %sign3A_10 : i32
    %sign3A_12 = arith.extui %sign3A_11 : i1 to i32
    %sign3A_13 = arith.subi %sign3A_9, %sign3A_12 : i32
    %ne3A = arith.cmpi ne, %sign3A_6, %sign3A_13 : i32
    %rem3A = arith.remsi %add3A, %jit3A : i32
    %ne3A_14 = arith.constant 0 : i32
    %ne3A_15 = arith.cmpi ne, %rem3A, %ne3A_14 : i32
    %and3A = arith.andi %ne3A, %ne3A_15 : i1
    %sub3A = arith.constant 1 : i32
    %sub3A_16 = arith.subi %div3A, %sub3A : i32
    %select_n3A = arith.select %and3A, %sub3A_16, %div3A : i32
    %jit3A_17 = arith.constant 4 : i32
    %eq3A = arith.constant 0 : i32
    %eq3A_18 = arith.cmpi eq, %jit3A_17, %eq3A : i32
    %jit3A_19 = arith.constant 1 : i32
    %select_n3A_20 = arith.select %eq3A_18, %jit3A_19, %jit3A_17 : i32
    %rem3A_21 = arith.remsi %add3A, %select_n3A_20 : i32
    %ne3A_22 = arith.constant 0 : i32
    %ne3A_23 = arith.cmpi ne, %rem3A_21, %ne3A_22 : i32
    %lt3A = arith.constant 0 : i32
    %lt3A_24 = arith.cmpi slt, %rem3A_21, %lt3A : i32
    %lt3A_25 = arith.constant 0 : i32
    %lt3A_26 = arith.cmpi slt, %select_n3A_20, %lt3A_25 : i32
    %ne3A_27 = arith.xori %lt3A_24, %lt3A_26 : i1
    %and3A_28 = arith.andi %ne3A_27, %ne3A_23 : i1
    %add3A_29 = arith.addi %rem3A_21, %select_n3A_20 : i32
    %select_n3A_30 = arith.select %and3A_28, %add3A_29, %rem3A_21 : i32
    %mul3A_31 = arith.constant 128 : i32
    %mul3A_32 = arith.muli %select_n3A_30, %mul3A_31 : i32
    %add3A_33 = arith.constant 0 : i32
    %add3A_34 = arith.addi %mul3A_32, %add3A_33 : i32
    %dma_start3A = arith.constant 0 : i32
    %dma_start3A_35 = arith.constant 0 : i32
    %dma_start3A_36 = tpu.memref_slice %arg3[%select_n3A, %dma_start3A, %add3A_34, %dma_start3A_35] : memref<8x3x512x512xf32, #tpu.memory_space<hbm>> -> memref<1x1x2x512xf32, #tpu.memory_space<hbm>>
    %dma_start3A_37 = tpu.memref_squeeze %dma_start3A_36 : memref<1x1x2x512xf32, #tpu.memory_space<hbm>> -> memref<2x512xf32, #tpu.memory_space<hbm>>
    %dma_start3A_38 = arith.constant 0 : i32
    %dma_start3A_39 = tpu.memref_slice %arg3[%select_n3A, %dma_start3A, %add3A_34, %dma_start3A_38] : memref<8x3x512x512xf32, #tpu.memory_space<hbm>> -> memref<1x1x2x512xf32, #tpu.memory_space<hbm>>
    %dma_start3A_40 = tpu.memref_squeeze %dma_start3A_39 : memref<1x1x2x512xf32, #tpu.memory_space<hbm>> -> memref<2x512xf32, #tpu.memory_space<hbm>>
    tpu.enqueue_dma source(%dma_start3A_40 : memref<2x512xf32, #tpu.memory_space<hbm>>) target(%arg6 : memref<2x512xf32, #tpu.memory_space<vmem>>) target_semaphore(%arg18 : memref<!tpu.dma_semaphore, #tpu.memory_space<semaphore_mem>>)
    %dma_start3A_41 = arith.constant 1 : i32
    %dma_start3A_42 = arith.constant 0 : i32
    %dma_start3A_43 = tpu.memref_slice %arg3[%select_n3A, %dma_start3A_41, %add3A_34, %dma_start3A_42] : memref<8x3x512x512xf32, #tpu.memory_space<hbm>> -> memref<1x1x2x512xf32, #tpu.memory_space<hbm>>
    %dma_start3A_44 = tpu.memref_squeeze %dma_start3A_43 : memref<1x1x2x512xf32, #tpu.memory_space<hbm>> -> memref<2x512xf32, #tpu.memory_space<hbm>>
    %dma_start3A_45 = arith.constant 0 : i32
    %dma_start3A_46 = tpu.memref_slice %arg3[%select_n3A, %dma_start3A_41, %add3A_34, %dma_start3A_45] : memref<8x3x512x512xf32, #tpu.memory_space<hbm>> -> memref<1x1x2x512xf32, #tpu.memory_space<hbm>>
    %dma_start3A_47 = tpu.memref_squeeze %dma_start3A_46 : memref<1x1x2x512xf32, #tpu.memory_space<hbm>> -> memref<2x512xf32, #tpu.memory_space<hbm>>
    tpu.enqueue_dma source(%dma_start3A_47 : memref<2x512xf32, #tpu.memory_space<hbm>>) target(%arg7 : memref<2x512xf32, #tpu.memory_space<vmem>>) target_semaphore(%arg18 : memref<!tpu.dma_semaphore, #tpu.memory_space<semaphore_mem>>)
    %dma_start3A_48 = arith.constant 2 : i32
    %dma_start3A_49 = arith.constant 0 : i32
    %dma_start3A_50 = tpu.memref_slice %arg3[%select_n3A, %dma_start3A_48, %add3A_34, %dma_start3A_49] : memref<8x3x512x512xf32, #tpu.memory_space<hbm>> -> memref<1x1x2x512xf32, #tpu.memory_space<hbm>>
    %dma_start3A_51 = tpu.memref_squeeze %dma_start3A_50 : memref<1x1x2x512xf32, #tpu.memory_space<hbm>> -> memref<2x512xf32, #tpu.memory_space<hbm>>
    %dma_start3A_52 = arith.constant 0 : i32
    %dma_start3A_53 = tpu.memref_slice %arg3[%select_n3A, %dma_start3A_48, %add3A_34, %dma_start3A_52] : memref<8x3x512x512xf32, #tpu.memory_space<hbm>> -> memref<1x1x2x512xf32, #tpu.memory_space<hbm>>
    %dma_start3A_54 = tpu.memref_squeeze %dma_start3A_53 : memref<1x1x2x512xf32, #tpu.memory_space<hbm>> -> memref<2x512xf32, #tpu.memory_space<hbm>>
    tpu.enqueue_dma source(%dma_start3A_54 : memref<2x512xf32, #tpu.memory_space<hbm>>) target(%arg8 : memref<2x512xf32, #tpu.memory_space<vmem>>) target_semaphore(%arg18 : memref<!tpu.dma_semaphore, #tpu.memory_space<semaphore_mem>>)
    %scan3A = arith.constant 0 : i32
    %scan3A_55 = arith.constant 0 : i32
    %scan3A_56 = arith.constant 32 : i32
    %scan3A_57 = arith.addi %scan3A_55, %scan3A_56 : i32
    %scan3A_58 = arith.constant 1 : i32
    %scan3A_59 = scf.for %scan3A_120 = %scan3A_55 to %scan3A_57 step %scan3A_58 iter_args(%scan3A_121 = %scan3A) -> (i32)  : i32 {
      %mul3A_122 = arith.constant 2 : i32
      %mul3A_123 = arith.muli %scan3A_120, %mul3A_122 : i32
      %add3A_124 = arith.constant 0 : i32
      %add3A_125 = arith.addi %mul3A_123, %add3A_124 : i32
      %add3A_126 = arith.constant 1 : i32
      %add3A_127 = arith.addi %add3A_125, %add3A_126 : i32
      %mul3A_128 = arith.constant 2 : i32
      %mul3A_129 = arith.muli %add3A_127, %mul3A_128 : i32
      %add3A_130 = arith.addi %mul3A_32, %mul3A_129 : i32
      %dma_start3A_131 = arith.constant 0 : i32
      %dma_start3A_132 = arith.constant 0 : i32
      %dma_start3A_133 = tpu.memref_slice %arg3[%select_n3A, %dma_start3A_131, %add3A_130, %dma_start3A_132] : memref<8x3x512x512xf32, #tpu.memory_space<hbm>> -> memref<1x1x2x512xf32, #tpu.memory_space<hbm>>
      %dma_start3A_134 = tpu.memref_squeeze %dma_start3A_133 : memref<1x1x2x512xf32, #tpu.memory_space<hbm>> -> memref<2x512xf32, #tpu.memory_space<hbm>>
      %dma_start3A_135 = arith.constant 0 : i32
      %dma_start3A_136 = tpu.memref_slice %arg3[%select_n3A, %dma_start3A_131, %add3A_130, %dma_start3A_135] : memref<8x3x512x512xf32, #tpu.memory_space<hbm>> -> memref<1x1x2x512xf32, #tpu.memory_space<hbm>>
      %dma_start3A_137 = tpu.memref_squeeze %dma_start3A_136 : memref<1x1x2x512xf32, #tpu.memory_space<hbm>> -> memref<2x512xf32, #tpu.memory_space<hbm>>
      tpu.enqueue_dma source(%dma_start3A_137 : memref<2x512xf32, #tpu.memory_space<hbm>>) target(%arg9 : memref<2x512xf32, #tpu.memory_space<vmem>>) target_semaphore(%arg19 : memref<!tpu.dma_semaphore, #tpu.memory_space<semaphore_mem>>)
      %dma_start3A_138 = arith.constant 1 : i32
      %dma_start3A_139 = arith.constant 0 : i32
      %dma_start3A_140 = tpu.memref_slice %arg3[%select_n3A, %dma_start3A_138, %add3A_130, %dma_start3A_139] : memref<8x3x512x512xf32, #tpu.memory_space<hbm>> -> memref<1x1x2x512xf32, #tpu.memory_space<hbm>>
      %dma_start3A_141 = tpu.memref_squeeze %dma_start3A_140 : memref<1x1x2x512xf32, #tpu.memory_space<hbm>> -> memref<2x512xf32, #tpu.memory_space<hbm>>
      %dma_start3A_142 = arith.constant 0 : i32
      %dma_start3A_143 = tpu.memref_slice %arg3[%select_n3A, %dma_start3A_138, %add3A_130, %dma_start3A_142] : memref<8x3x512x512xf32, #tpu.memory_space<hbm>> -> memref<1x1x2x512xf32, #tpu.memory_space<hbm>>
      %dma_start3A_144 = tpu.memref_squeeze %dma_start3A_143 : memref<1x1x2x512xf32, #tpu.memory_space<hbm>> -> memref<2x512xf32, #tpu.memory_space<hbm>>
      tpu.enqueue_dma source(%dma_start3A_144 : memref<2x512xf32, #tpu.memory_space<hbm>>) target(%arg10 : memref<2x512xf32, #tpu.memory_space<vmem>>) target_semaphore(%arg19 : memref<!tpu.dma_semaphore, #tpu.memory_space<semaphore_mem>>)
      %dma_start3A_145 = arith.constant 2 : i32
      %dma_start3A_146 = arith.constant 0 : i32
      %dma_start3A_147 = tpu.memref_slice %arg3[%select_n3A, %dma_start3A_145, %add3A_130, %dma_start3A_146] : memref<8x3x512x512xf32, #tpu.memory_space<hbm>> -> memref<1x1x2x512xf32, #tpu.memory_space<hbm>>
      %dma_start3A_148 = tpu.memref_squeeze %dma_start3A_147 : memref<1x1x2x512xf32, #tpu.memory_space<hbm>> -> memref<2x512xf32, #tpu.memory_space<hbm>>
      %dma_start3A_149 = arith.constant 0 : i32
      %dma_start3A_150 = tpu.memref_slice %arg3[%select_n3A, %dma_start3A_145, %add3A_130, %dma_start3A_149] : memref<8x3x512x512xf32, #tpu.memory_space<hbm>> -> memref<1x1x2x512xf32, #tpu.memory_space<hbm>>
      %dma_start3A_151 = tpu.memref_squeeze %dma_start3A_150 : memref<1x1x2x512xf32, #tpu.memory_space<hbm>> -> memref<2x512xf32, #tpu.memory_space<hbm>>
      tpu.enqueue_dma source(%dma_start3A_151 : memref<2x512xf32, #tpu.memory_space<hbm>>) target(%arg11 : memref<2x512xf32, #tpu.memory_space<vmem>>) target_semaphore(%arg19 : memref<!tpu.dma_semaphore, #tpu.memory_space<semaphore_mem>>)
      %dma_wait3A_152 = arith.constant 0 : i32
      %dma_wait3A_153 = arith.constant 0 : i32
      %dma_wait3A_154 = arith.constant 0 : i32
      %dma_wait3A_155 = arith.constant 0 : i32
      %dma_wait3A_156 = tpu.memref_slice %arg3[%dma_wait3A_152, %dma_wait3A_153, %dma_wait3A_154, %dma_wait3A_155] : memref<8x3x512x512xf32, #tpu.memory_space<hbm>> -> memref<1x1x2x512xf32, #tpu.memory_space<hbm>>
      %dma_wait3A_157 = tpu.memref_squeeze %dma_wait3A_156 : memref<1x1x2x512xf32, #tpu.memory_space<hbm>> -> memref<2x512xf32, #tpu.memory_space<hbm>>
      %dma_wait3A_158 = arith.constant 0 : i32
      %dma_wait3A_159 = arith.constant 0 : i32
      %dma_wait3A_160 = tpu.memref_slice %arg3[%dma_wait3A_152, %dma_wait3A_153, %dma_wait3A_158, %dma_wait3A_159] : memref<8x3x512x512xf32, #tpu.memory_space<hbm>> -> memref<1x1x2x512xf32, #tpu.memory_space<hbm>>
      %dma_wait3A_161 = tpu.memref_squeeze %dma_wait3A_160 : memref<1x1x2x512xf32, #tpu.memory_space<hbm>> -> memref<2x512xf32, #tpu.memory_space<hbm>>
      tpu.wait_dma2 semaphore(%arg18 : memref<!tpu.dma_semaphore, #tpu.memory_space<semaphore_mem>>) src(%dma_wait3A_161 : memref<2x512xf32, #tpu.memory_space<hbm>>) dst(%arg6 : memref<2x512xf32, #tpu.memory_space<vmem>>)
      %dma_wait3A_162 = arith.constant 0 : i32
      %dma_wait3A_163 = arith.constant 0 : i32
      %dma_wait3A_164 = arith.constant 0 : i32
      %dma_wait3A_165 = arith.constant 0 : i32
      %dma_wait3A_166 = tpu.memref_slice %arg3[%dma_wait3A_162, %dma_wait3A_163, %dma_wait3A_164, %dma_wait3A_165] : memref<8x3x512x512xf32, #tpu.memory_space<hbm>> -> memref<1x1x2x512xf32, #tpu.memory_space<hbm>>
      %dma_wait3A_167 = tpu.memref_squeeze %dma_wait3A_166 : memref<1x1x2x512xf32, #tpu.memory_space<hbm>> -> memref<2x512xf32, #tpu.memory_space<hbm>>
      %dma_wait3A_168 = arith.constant 0 : i32
      %dma_wait3A_169 = arith.constant 0 : i32
      %dma_wait3A_170 = tpu.memref_slice %arg3[%dma_wait3A_162, %dma_wait3A_163, %dma_wait3A_168, %dma_wait3A_169] : memref<8x3x512x512xf32, #tpu.memory_space<hbm>> -> memref<1x1x2x512xf32, #tpu.memory_space<hbm>>
      %dma_wait3A_171 = tpu.memref_squeeze %dma_wait3A_170 : memref<1x1x2x512xf32, #tpu.memory_space<hbm>> -> memref<2x512xf32, #tpu.memory_space<hbm>>
      tpu.wait_dma2 semaphore(%arg18 : memref<!tpu.dma_semaphore, #tpu.memory_space<semaphore_mem>>) src(%dma_wait3A_171 : memref<2x512xf32, #tpu.memory_space<hbm>>) dst(%arg7 : memref<2x512xf32, #tpu.memory_space<vmem>>)
      %dma_wait3A_172 = arith.constant 0 : i32
      %dma_wait3A_173 = arith.constant 0 : i32
      %dma_wait3A_174 = arith.constant 0 : i32
      %dma_wait3A_175 = arith.constant 0 : i32
      %dma_wait3A_176 = tpu.memref_slice %arg3[%dma_wait3A_172, %dma_wait3A_173, %dma_wait3A_174, %dma_wait3A_175] : memref<8x3x512x512xf32, #tpu.memory_space<hbm>> -> memref<1x1x2x512xf32, #tpu.memory_space<hbm>>
      %dma_wait3A_177 = tpu.memref_squeeze %dma_wait3A_176 : memref<1x1x2x512xf32, #tpu.memory_space<hbm>> -> memref<2x512xf32, #tpu.memory_space<hbm>>
      %dma_wait3A_178 = arith.constant 0 : i32
      %dma_wait3A_179 = arith.constant 0 : i32
      %dma_wait3A_180 = tpu.memref_slice %arg3[%dma_wait3A_172, %dma_wait3A_173, %dma_wait3A_178, %dma_wait3A_179] : memref<8x3x512x512xf32, #tpu.memory_space<hbm>> -> memref<1x1x2x512xf32, #tpu.memory_space<hbm>>
      %dma_wait3A_181 = tpu.memref_squeeze %dma_wait3A_180 : memref<1x1x2x512xf32, #tpu.memory_space<hbm>> -> memref<2x512xf32, #tpu.memory_space<hbm>>
      tpu.wait_dma2 semaphore(%arg18 : memref<!tpu.dma_semaphore, #tpu.memory_space<semaphore_mem>>) src(%dma_wait3A_181 : memref<2x512xf32, #tpu.memory_space<hbm>>) dst(%arg8 : memref<2x512xf32, #tpu.memory_space<vmem>>)
      %gt3A = arith.constant 0 : i32
      %gt3A_182 = arith.cmpi sgt, %scan3A_120, %gt3A : i32
      %convert_element_type3A = arith.extui %gt3A_182 : i1 to i32
      %cond3A = arith.constant 0 : i32
      %cond3A_183 = arith.cmpi ne, %convert_element_type3A, %cond3A : i32
      scf.if %cond3A_183 {
        %dma_wait3A_291 = arith.constant 0 : i32
        %dma_wait3A_292 = arith.constant 0 : i32
        %dma_wait3A_293 = arith.constant 0 : i32
        %dma_wait3A_294 = arith.constant 0 : i32
        %dma_wait3A_295 = tpu.memref_slice %arg4[%dma_wait3A_291, %dma_wait3A_292, %dma_wait3A_293, %dma_wait3A_294] : memref<8x3x512x512xf32, #tpu.memory_space<hbm>> -> memref<1x1x2x512xf32, #tpu.memory_space<hbm>>
        %dma_wait3A_296 = tpu.memref_squeeze %dma_wait3A_295 : memref<1x1x2x512xf32, #tpu.memory_space<hbm>> -> memref<2x512xf32, #tpu.memory_space<hbm>>
        %dma_wait3A_297 = arith.constant 0 : i32
        %dma_wait3A_298 = arith.constant 0 : i32
        %dma_wait3A_299 = tpu.memref_slice %arg4[%dma_wait3A_291, %dma_wait3A_292, %dma_wait3A_297, %dma_wait3A_298] : memref<8x3x512x512xf32, #tpu.memory_space<hbm>> -> memref<1x1x2x512xf32, #tpu.memory_space<hbm>>
        %dma_wait3A_300 = tpu.memref_squeeze %dma_wait3A_299 : memref<1x1x2x512xf32, #tpu.memory_space<hbm>> -> memref<2x512xf32, #tpu.memory_space<hbm>>
        tpu.wait_dma2 semaphore(%arg20 : memref<!tpu.dma_semaphore, #tpu.memory_space<semaphore_mem>>) src(%arg12 : memref<2x512xf32, #tpu.memory_space<vmem>>) dst(%dma_wait3A_300 : memref<2x512xf32, #tpu.memory_space<hbm>>)
        %dma_wait3A_301 = arith.constant 0 : i32
        %dma_wait3A_302 = arith.constant 0 : i32
        %dma_wait3A_303 = arith.constant 0 : i32
        %dma_wait3A_304 = arith.constant 0 : i32
        %dma_wait3A_305 = tpu.memref_slice %arg4[%dma_wait3A_301, %dma_wait3A_302, %dma_wait3A_303, %dma_wait3A_304] : memref<8x3x512x512xf32, #tpu.memory_space<hbm>> -> memref<1x1x2x512xf32, #tpu.memory_space<hbm>>
        %dma_wait3A_306 = tpu.memref_squeeze %dma_wait3A_305 : memref<1x1x2x512xf32, #tpu.memory_space<hbm>> -> memref<2x512xf32, #tpu.memory_space<hbm>>
        %dma_wait3A_307 = arith.constant 0 : i32
        %dma_wait3A_308 = arith.constant 0 : i32
        %dma_wait3A_309 = tpu.memref_slice %arg4[%dma_wait3A_301, %dma_wait3A_302, %dma_wait3A_307, %dma_wait3A_308] : memref<8x3x512x512xf32, #tpu.memory_space<hbm>> -> memref<1x1x2x512xf32, #tpu.memory_space<hbm>>
        %dma_wait3A_310 = tpu.memref_squeeze %dma_wait3A_309 : memref<1x1x2x512xf32, #tpu.memory_space<hbm>> -> memref<2x512xf32, #tpu.memory_space<hbm>>
        tpu.wait_dma2 semaphore(%arg20 : memref<!tpu.dma_semaphore, #tpu.memory_space<semaphore_mem>>) src(%arg13 : memref<2x512xf32, #tpu.memory_space<vmem>>) dst(%dma_wait3A_310 : memref<2x512xf32, #tpu.memory_space<hbm>>)
        %dma_wait3A_311 = arith.constant 0 : i32
        %dma_wait3A_312 = arith.constant 0 : i32
        %dma_wait3A_313 = arith.constant 0 : i32
        %dma_wait3A_314 = arith.constant 0 : i32
        %dma_wait3A_315 = tpu.memref_slice %arg4[%dma_wait3A_311, %dma_wait3A_312, %dma_wait3A_313, %dma_wait3A_314] : memref<8x3x512x512xf32, #tpu.memory_space<hbm>> -> memref<1x1x2x512xf32, #tpu.memory_space<hbm>>
        %dma_wait3A_316 = tpu.memref_squeeze %dma_wait3A_315 : memref<1x1x2x512xf32, #tpu.memory_space<hbm>> -> memref<2x512xf32, #tpu.memory_space<hbm>>
        %dma_wait3A_317 = arith.constant 0 : i32
        %dma_wait3A_318 = arith.constant 0 : i32
        %dma_wait3A_319 = tpu.memref_slice %arg4[%dma_wait3A_311, %dma_wait3A_312, %dma_wait3A_317, %dma_wait3A_318] : memref<8x3x512x512xf32, #tpu.memory_space<hbm>> -> memref<1x1x2x512xf32, #tpu.memory_space<hbm>>
        %dma_wait3A_320 = tpu.memref_squeeze %dma_wait3A_319 : memref<1x1x2x512xf32, #tpu.memory_space<hbm>> -> memref<2x512xf32, #tpu.memory_space<hbm>>
        tpu.wait_dma2 semaphore(%arg20 : memref<!tpu.dma_semaphore, #tpu.memory_space<semaphore_mem>>) src(%arg14 : memref<2x512xf32, #tpu.memory_space<vmem>>) dst(%dma_wait3A_320 : memref<2x512xf32, #tpu.memory_space<hbm>>)
      } else {
      }
      %scan3A_184 = arith.constant 0 : i32
      %scan3A_185 = arith.constant 0 : i32
      %scan3A_186 = arith.constant 2 : i32
      %scan3A_187 = arith.addi %scan3A_185, %scan3A_186 : i32
      %scan3A_188 = arith.constant 1 : i32
      %scan3A_189 = scf.for %scan3A_291 = %scan3A_185 to %scan3A_187 step %scan3A_188 iter_args(%scan3A_292 = %scan3A_184) -> (i32)  : i32 {
        %get3A = arith.index_cast %scan3A_291 : i32 to index
        %get3A_293 = arith.constant 0 : index
        %get3A_294 = tpu.vector_load %arg6[%get3A, %get3A_293] {strides = array<i32>} : memref<2x512xf32, #tpu.memory_space<vmem>>, vector<16xf32>,
        %get3A_295 = arith.index_cast %scan3A_291 : i32 to index
        %get3A_296 = arith.constant 0 : index
        %get3A_297 = tpu.vector_load %arg7[%get3A_295, %get3A_296] {strides = array<i32>} : memref<2x512xf32, #tpu.memory_space<vmem>>, vector<16xf32>,
        %get3A_298 = arith.index_cast %scan3A_291 : i32 to index
        %get3A_299 = arith.constant 0 : index
        %get3A_300 = tpu.vector_load %arg8[%get3A_298, %get3A_299] {strides = array<i32>} : memref<2x512xf32, #tpu.memory_space<vmem>>, vector<16xf32>,
        %mul3A_301 = arith.constant 31.9999676 : f32
        %mul3A_302 = vector.broadcast %mul3A_301 : f32 to vector<16xf32>
        %mul3A_303 = arith.mulf %get3A_294, %mul3A_302 : vector<16xf32>
        %mul3A_304 = arith.constant 31.9999676 : f32
        %mul3A_305 = vector.broadcast %mul3A_304 : f32 to vector<16xf32>
        %mul3A_306 = arith.mulf %get3A_297, %mul3A_305 : vector<16xf32>
        %mul3A_307 = arith.constant 31.9999676 : f32
        %mul3A_308 = vector.broadcast %mul3A_307 : f32 to vector<16xf32>
        %mul3A_309 = arith.mulf %get3A_300, %mul3A_308 : vector<16xf32>
        %convert_element_type3A_310 = arith.fptosi %mul3A_303 : vector<16xf32> to vector<16xi32>
        %convert_element_type3A_311 = arith.fptosi %mul3A_306 : vector<16xf32> to vector<16xi32>
        %convert_element_type3A_312 = arith.fptosi %mul3A_309 : vector<16xf32> to vector<16xi32>
        %convert_element_type3A_313 = arith.sitofp %convert_element_type3A_310 : vector<16xi32> to vector<16xf32>
        %sub3A_314 = arith.subf %mul3A_303, %convert_element_type3A_313 : vector<16xf32>
        %convert_element_type3A_315 = arith.sitofp %convert_element_type3A_311 : vector<16xi32> to vector<16xf32>
        %sub3A_316 = arith.subf %mul3A_306, %convert_element_type3A_315 : vector<16xf32>
        %convert_element_type3A_317 = arith.sitofp %convert_element_type3A_312 : vector<16xi32> to vector<16xf32>
        %sub3A_318 = arith.subf %mul3A_309, %convert_element_type3A_317 : vector<16xf32>
        %max3A = arith.constant 0 : i32
        %max3A_319 = vector.broadcast %max3A : i32 to vector<16xi32>
        %max3A_320 = arith.maxsi %convert_element_type3A_310, %max3A_319 : vector<16xi32>
        %min3A = arith.constant 31 : i32
        %min3A_321 = vector.broadcast %min3A : i32 to vector<16xi32>
        %min3A_322 = arith.minsi %max3A_320, %min3A_321 : vector<16xi32>
        %max3A_323 = arith.constant 0 : i32
        %max3A_324 = vector.broadcast %max3A_323 : i32 to vector<16xi32>
        %max3A_325 = arith.maxsi %convert_element_type3A_311, %max3A_324 : vector<16xi32>
        %min3A_326 = arith.constant 31 : i32
        %min3A_327 = vector.broadcast %min3A_326 : i32 to vector<16xi32>
        %min3A_328 = arith.minsi %max3A_325, %min3A_327 : vector<16xi32>
        %max3A_329 = arith.constant 0 : i32
        %max3A_330 = vector.broadcast %max3A_329 : i32 to vector<16xi32>
        %max3A_331 = arith.maxsi %convert_element_type3A_312, %max3A_330 : vector<16xi32>
        %min3A_332 = arith.constant 31 : i32
        %min3A_333 = vector.broadcast %min3A_332 : i32 to vector<16xi32>
        %min3A_334 = arith.minsi %max3A_331, %min3A_333 : vector<16xi32>
        %mul3A_335 = arith.constant 33 : i32
        %mul3A_336 = vector.broadcast %mul3A_335 : i32 to vector<16xi32>
        %mul3A_337 = arith.muli %min3A_328, %mul3A_336 : vector<16xi32>
        %add3A_338 = arith.addi %min3A_322, %mul3A_337 : vector<16xi32>
        %mul3A_339 = arith.constant 1089 : i32
        %mul3A_340 = vector.broadcast %mul3A_339 : i32 to vector<16xi32>
        %mul3A_341 = arith.muli %min3A_334, %mul3A_340 : vector<16xi32>
        %add3A_342 = arith.addi %add3A_338, %mul3A_341 : vector<16xi32>
        %scan3A_343 = arith.constant 0 : i32
        %scan3A_344 = arith.constant 32 : i32
        %scan3A_345 = arith.addi %scan3A_343, %scan3A_344 : i32
        %scan3A_346 = arith.constant 1 : i32
        %scan3A_347:4 = scf.for %scan3A_350 = %scan3A_343 to %scan3A_345 step %scan3A_346 iter_args(%scan3A_351 = %add3A_342, %scan3A_352 = %sub3A_314, %scan3A_353 = %sub3A_316, %scan3A_354 = %sub3A_318) -> (vector<16xi32>, vector<16xf32>, vector<16xf32>, vector<16xf32>)  : i32 {
          %add3A_355 = arith.constant 1 : i32
          %add3A_356 = arith.addi %scan3A_350, %add3A_355 : i32
          %min3A_357 = arith.constant 31 : i32
          %min3A_358 = arith.minsi %add3A_356, %min3A_357 : i32
          %mul3A_359 = arith.constant 16 : i32
          %mul3A_360 = arith.muli %min3A_358, %mul3A_359 : i32
          %get3A_361 = arith.index_cast %scan3A_291 : i32 to index
          %get3A_362 = arith.index_cast %mul3A_360 : i32 to index
          %get3A_363 = tpu.vector_load %arg6[%get3A_361, %get3A_362] {strides = array<i32>} : memref<2x512xf32, #tpu.memory_space<vmem>>, vector<16xf32>,
          %get3A_364 = arith.index_cast %scan3A_291 : i32 to index
          %get3A_365 = arith.index_cast %mul3A_360 : i32 to index
          %get3A_366 = tpu.vector_load %arg7[%get3A_364, %get3A_365] {strides = array<i32>} : memref<2x512xf32, #tpu.memory_space<vmem>>, vector<16xf32>,
          %get3A_367 = arith.index_cast %scan3A_291 : i32 to index
          %get3A_368 = arith.index_cast %mul3A_360 : i32 to index
          %get3A_369 = tpu.vector_load %arg8[%get3A_367, %get3A_368] {strides = array<i32>} : memref<2x512xf32, #tpu.memory_space<vmem>>, vector<16xf32>,
          %mul3A_370 = arith.constant 31.9999676 : f32
          %mul3A_371 = vector.broadcast %mul3A_370 : f32 to vector<16xf32>
          %mul3A_372 = arith.mulf %get3A_363, %mul3A_371 : vector<16xf32>
          %mul3A_373 = arith.constant 31.9999676 : f32
          %mul3A_374 = vector.broadcast %mul3A_373 : f32 to vector<16xf32>
          %mul3A_375 = arith.mulf %get3A_366, %mul3A_374 : vector<16xf32>
          %mul3A_376 = arith.constant 31.9999676 : f32
          %mul3A_377 = vector.broadcast %mul3A_376 : f32 to vector<16xf32>
          %mul3A_378 = arith.mulf %get3A_369, %mul3A_377 : vector<16xf32>
          %convert_element_type3A_379 = arith.fptosi %mul3A_372 : vector<16xf32> to vector<16xi32>
          %convert_element_type3A_380 = arith.fptosi %mul3A_375 : vector<16xf32> to vector<16xi32>
          %convert_element_type3A_381 = arith.fptosi %mul3A_378 : vector<16xf32> to vector<16xi32>
          %convert_element_type3A_382 = arith.sitofp %convert_element_type3A_379 : vector<16xi32> to vector<16xf32>
          %sub3A_383 = arith.subf %mul3A_372, %convert_element_type3A_382 : vector<16xf32>
          %convert_element_type3A_384 = arith.sitofp %convert_element_type3A_380 : vector<16xi32> to vector<16xf32>
          %sub3A_385 = arith.subf %mul3A_375, %convert_element_type3A_384 : vector<16xf32>
          %convert_element_type3A_386 = arith.sitofp %convert_element_type3A_381 : vector<16xi32> to vector<16xf32>
          %sub3A_387 = arith.subf %mul3A_378, %convert_element_type3A_386 : vector<16xf32>
          %max3A_388 = arith.constant 0 : i32
          %max3A_389 = vector.broadcast %max3A_388 : i32 to vector<16xi32>
          %max3A_390 = arith.maxsi %convert_element_type3A_379, %max3A_389 : vector<16xi32>
          %min3A_391 = arith.constant 31 : i32
          %min3A_392 = vector.broadcast %min3A_391 : i32 to vector<16xi32>
          %min3A_393 = arith.minsi %max3A_390, %min3A_392 : vector<16xi32>
          %max3A_394 = arith.constant 0 : i32
          %max3A_395 = vector.broadcast %max3A_394 : i32 to vector<16xi32>
          %max3A_396 = arith.maxsi %convert_element_type3A_380, %max3A_395 : vector<16xi32>
          %min3A_397 = arith.constant 31 : i32
          %min3A_398 = vector.broadcast %min3A_397 : i32 to vector<16xi32>
          %min3A_399 = arith.minsi %max3A_396, %min3A_398 : vector<16xi32>
          %max3A_400 = arith.constant 0 : i32
          %max3A_401 = vector.broadcast %max3A_400 : i32 to vector<16xi32>
          %max3A_402 = arith.maxsi %convert_element_type3A_381, %max3A_401 : vector<16xi32>
          %min3A_403 = arith.constant 31 : i32
          %min3A_404 = vector.broadcast %min3A_403 : i32 to vector<16xi32>
          %min3A_405 = arith.minsi %max3A_402, %min3A_404 : vector<16xi32>
          %mul3A_406 = arith.constant 33 : i32
          %mul3A_407 = vector.broadcast %mul3A_406 : i32 to vector<16xi32>
          %mul3A_408 = arith.muli %min3A_399, %mul3A_407 : vector<16xi32>
          %add3A_409 = arith.addi %min3A_393, %mul3A_408 : vector<16xi32>
          %mul3A_410 = arith.constant 1089 : i32
          %mul3A_411 = vector.broadcast %mul3A_410 : i32 to vector<16xi32>
          %mul3A_412 = arith.muli %min3A_405, %mul3A_411 : vector<16xi32>
          %add3A_413 = arith.addi %add3A_409, %mul3A_412 : vector<16xi32>
          %mul3A_414 = arith.constant 16 : i32
          %mul3A_415 = arith.muli %scan3A_350, %mul3A_414 : i32
          %sub3A_416 = arith.constant 1.000000e+00 : f32
          %sub3A_417 = vector.broadcast %sub3A_416 : f32 to vector<16xf32>
          %sub3A_418 = arith.subf %sub3A_417, %scan3A_352 : vector<16xf32>
          %sub3A_419 = arith.constant 1.000000e+00 : f32
          %sub3A_420 = vector.broadcast %sub3A_419 : f32 to vector<16xf32>
          %sub3A_421 = arith.subf %sub3A_420, %scan3A_353 : vector<16xf32>
          %sub3A_422 = arith.constant 1.000000e+00 : f32
          %sub3A_423 = vector.broadcast %sub3A_422 : f32 to vector<16xf32>
          %sub3A_424 = arith.subf %sub3A_423, %scan3A_354 : vector<16xf32>
          %mul3A_425 = arith.mulf %sub3A_418, %sub3A_421 : vector<16xf32>
          %mul3A_426 = arith.mulf %scan3A_352, %sub3A_421 : vector<16xf32>
          %mul3A_427 = arith.mulf %sub3A_418, %scan3A_353 : vector<16xf32>
          %mul3A_428 = arith.mulf %scan3A_352, %scan3A_353 : vector<16xf32>
          %mul3A_429 = arith.mulf %mul3A_425, %sub3A_424 : vector<16xf32>
          %mul3A_430 = arith.mulf %mul3A_426, %sub3A_424 : vector<16xf32>
          %mul3A_431 = arith.mulf %mul3A_427, %sub3A_424 : vector<16xf32>
          %mul3A_432 = arith.mulf %mul3A_428, %sub3A_424 : vector<16xf32>
          %mul3A_433 = arith.mulf %mul3A_425, %scan3A_354 : vector<16xf32>
          %mul3A_434 = arith.mulf %mul3A_426, %scan3A_354 : vector<16xf32>
          %mul3A_435 = arith.mulf %mul3A_427, %scan3A_354 : vector<16xf32>
          %mul3A_436 = arith.mulf %mul3A_428, %scan3A_354 : vector<16xf32>
          %add3A_437 = arith.constant 35937 : i32
          %add3A_438 = vector.broadcast %add3A_437 : i32 to vector<16xi32>
          %add3A_439 = arith.addi %scan3A_351, %add3A_438 : vector<16xi32>
          %add3A_440 = arith.constant 71874 : i32
          %add3A_441 = vector.broadcast %add3A_440 : i32 to vector<16xi32>
          %add3A_442 = arith.addi %scan3A_351, %add3A_441 : vector<16xi32>
          %add3A_443 = arith.constant 0 : i32
          %add3A_444 = vector.broadcast %add3A_443 : i32 to vector<16xi32>
          %add3A_445 = arith.addi %scan3A_351, %add3A_444 : vector<16xi32>
          %gather3A = tpu.vector_load_idx %arg5[%add3A_445] : memref<107824xi32, #tpu.memory_space<vmem>>[vector<16xi32>], vector<16xi32>,
          %shift_left3A = arith.constant 16 : i32
          %shift_left3A_446 = vector.broadcast %shift_left3A : i32 to vector<16xi32>
          %shift_left3A_447 = arith.shli %gather3A, %shift_left3A_446 : vector<16xi32>
          %bitcast3A = vector.bitcast %shift_left3A_447 : vector<16xi32> to vector<16xf32>
          %bitcast3A_448 = vector.bitcast %gather3A : vector<16xi32> to vector<16xf32>
          %mul3A_449 = arith.mulf %mul3A_429, %bitcast3A : vector<16xf32>
          %mul3A_450 = arith.mulf %mul3A_430, %bitcast3A_448 : vector<16xf32>
          %add3A_451 = arith.constant 33 : i32
          %add3A_452 = vector.broadcast %add3A_451 : i32 to vector<16xi32>
          %add3A_453 = arith.addi %scan3A_351, %add3A_452 : vector<16xi32>
          %gather3A_454 = tpu.vector_load_idx %arg5[%add3A_453] : memref<107824xi32, #tpu.memory_space<vmem>>[vector<16xi32>], vector<16xi32>,
          %shift_left3A_455 = arith.constant 16 : i32
          %shift_left3A_456 = vector.broadcast %shift_left3A_455 : i32 to vector<16xi32>
          %shift_left3A_457 = arith.shli %gather3A_454, %shift_left3A_456 : vector<16xi32>
          %bitcast3A_458 = vector.bitcast %shift_left3A_457 : vector<16xi32> to vector<16xf32>
          %bitcast3A_459 = vector.bitcast %gather3A_454 : vector<16xi32> to vector<16xf32>
          %mul3A_460 = arith.mulf %mul3A_431, %bitcast3A_458 : vector<16xf32>
          %mul3A_461 = arith.mulf %mul3A_432, %bitcast3A_459 : vector<16xf32>
          %add3A_462 = arith.constant 1089 : i32
          %add3A_463 = vector.broadcast %add3A_462 : i32 to vector<16xi32>
          %add3A_464 = arith.addi %scan3A_351, %add3A_463 : vector<16xi32>
          %gather3A_465 = tpu.vector_load_idx %arg5[%add3A_464] : memref<107824xi32, #tpu.memory_space<vmem>>[vector<16xi32>], vector<16xi32>,
          %shift_left3A_466 = arith.constant 16 : i32
          %shift_left3A_467 = vector.broadcast %shift_left3A_466 : i32 to vector<16xi32>
          %shift_left3A_468 = arith.shli %gather3A_465, %shift_left3A_467 : vector<16xi32>
          %bitcast3A_469 = vector.bitcast %shift_left3A_468 : vector<16xi32> to vector<16xf32>
          %bitcast3A_470 = vector.bitcast %gather3A_465 : vector<16xi32> to vector<16xf32>
          %mul3A_471 = arith.mulf %mul3A_433, %bitcast3A_469 : vector<16xf32>
          %mul3A_472 = arith.mulf %mul3A_434, %bitcast3A_470 : vector<16xf32>
          %add3A_473 = arith.constant 1122 : i32
          %add3A_474 = vector.broadcast %add3A_473 : i32 to vector<16xi32>
          %add3A_475 = arith.addi %scan3A_351, %add3A_474 : vector<16xi32>
          %gather3A_476 = tpu.vector_load_idx %arg5[%add3A_475] : memref<107824xi32, #tpu.memory_space<vmem>>[vector<16xi32>], vector<16xi32>,
          %shift_left3A_477 = arith.constant 16 : i32
          %shift_left3A_478 = vector.broadcast %shift_left3A_477 : i32 to vector<16xi32>
          %shift_left3A_479 = arith.shli %gather3A_476, %shift_left3A_478 : vector<16xi32>
          %bitcast3A_480 = vector.bitcast %shift_left3A_479 : vector<16xi32> to vector<16xf32>
          %bitcast3A_481 = vector.bitcast %gather3A_476 : vector<16xi32> to vector<16xf32>
          %mul3A_482 = arith.mulf %mul3A_435, %bitcast3A_480 : vector<16xf32>
          %mul3A_483 = arith.mulf %mul3A_436, %bitcast3A_481 : vector<16xf32>
          %add3A_484 = arith.addf %mul3A_449, %mul3A_450 : vector<16xf32>
          %add3A_485 = arith.addf %mul3A_460, %mul3A_461 : vector<16xf32>
          %add3A_486 = arith.addf %add3A_484, %add3A_485 : vector<16xf32>
          %add3A_487 = arith.addf %mul3A_471, %mul3A_472 : vector<16xf32>
          %add3A_488 = arith.addf %mul3A_482, %mul3A_483 : vector<16xf32>
          %add3A_489 = arith.addf %add3A_487, %add3A_488 : vector<16xf32>
          %add3A_490 = arith.addf %add3A_486, %add3A_489 : vector<16xf32>
          %swap3A = arith.index_cast %scan3A_291 : i32 to index
          %swap3A_491 = arith.index_cast %mul3A_415 : i32 to index
          %swap3A_492 = tpu.vector_load %arg12[%swap3A, %swap3A_491] {strides = array<i32>} : memref<2x512xf32, #tpu.memory_space<vmem>>, vector<16xf32>,
          tpu.vector_store %arg12[%swap3A, %swap3A_491], %add3A_490 {strides = array<i32>} : memref<2x512xf32, #tpu.memory_space<vmem>>, vector<16xf32>,
          %add3A_493 = arith.constant 0 : i32
          %add3A_494 = vector.broadcast %add3A_493 : i32 to vector<16xi32>
          %add3A_495 = arith.addi %add3A_439, %add3A_494 : vector<16xi32>
          %gather3A_496 = tpu.vector_load_idx %arg5[%add3A_495] : memref<107824xi32, #tpu.memory_space<vmem>>[vector<16xi32>], vector<16xi32>,
          %shift_left3A_497 = arith.constant 16 : i32
          %shift_left3A_498 = vector.broadcast %shift_left3A_497 : i32 to vector<16xi32>
          %shift_left3A_499 = arith.shli %gather3A_496, %shift_left3A_498 : vector<16xi32>
          %bitcast3A_500 = vector.bitcast %shift_left3A_499 : vector<16xi32> to vector<16xf32>
          %bitcast3A_501 = vector.bitcast %gather3A_496 : vector<16xi32> to vector<16xf32>
          %mul3A_502 = arith.mulf %mul3A_429, %bitcast3A_500 : vector<16xf32>
          %mul3A_503 = arith.mulf %mul3A_430, %bitcast3A_501 : vector<16xf32>
          %add3A_504 = arith.constant 33 : i32
          %add3A_505 = vector.broadcast %add3A_504 : i32 to vector<16xi32>
          %add3A_506 = arith.addi %add3A_439, %add3A_505 : vector<16xi32>
          %gather3A_507 = tpu.vector_load_idx %arg5[%add3A_506] : memref<107824xi32, #tpu.memory_space<vmem>>[vector<16xi32>], vector<16xi32>,
          %shift_left3A_508 = arith.constant 16 : i32
          %shift_left3A_509 = vector.broadcast %shift_left3A_508 : i32 to vector<16xi32>
          %shift_left3A_510 = arith.shli %gather3A_507, %shift_left3A_509 : vector<16xi32>
          %bitcast3A_511 = vector.bitcast %shift_left3A_510 : vector<16xi32> to vector<16xf32>
          %bitcast3A_512 = vector.bitcast %gather3A_507 : vector<16xi32> to vector<16xf32>
          %mul3A_513 = arith.mulf %mul3A_431, %bitcast3A_511 : vector<16xf32>
          %mul3A_514 = arith.mulf %mul3A_432, %bitcast3A_512 : vector<16xf32>
          %add3A_515 = arith.constant 1089 : i32
          %add3A_516 = vector.broadcast %add3A_515 : i32 to vector<16xi32>
          %add3A_517 = arith.addi %add3A_439, %add3A_516 : vector<16xi32>
          %gather3A_518 = tpu.vector_load_idx %arg5[%add3A_517] : memref<107824xi32, #tpu.memory_space<vmem>>[vector<16xi32>], vector<16xi32>,
          %shift_left3A_519 = arith.constant 16 : i32
          %shift_left3A_520 = vector.broadcast %shift_left3A_519 : i32 to vector<16xi32>
          %shift_left3A_521 = arith.shli %gather3A_518, %shift_left3A_520 : vector<16xi32>
          %bitcast3A_522 = vector.bitcast %shift_left3A_521 : vector<16xi32> to vector<16xf32>
          %bitcast3A_523 = vector.bitcast %gather3A_518 : vector<16xi32> to vector<16xf32>
          %mul3A_524 = arith.mulf %mul3A_433, %bitcast3A_522 : vector<16xf32>
          %mul3A_525 = arith.mulf %mul3A_434, %bitcast3A_523 : vector<16xf32>
          %add3A_526 = arith.constant 1122 : i32
          %add3A_527 = vector.broadcast %add3A_526 : i32 to vector<16xi32>
          %add3A_528 = arith.addi %add3A_439, %add3A_527 : vector<16xi32>
          %gather3A_529 = tpu.vector_load_idx %arg5[%add3A_528] : memref<107824xi32, #tpu.memory_space<vmem>>[vector<16xi32>], vector<16xi32>,
          %shift_left3A_530 = arith.constant 16 : i32
          %shift_left3A_531 = vector.broadcast %shift_left3A_530 : i32 to vector<16xi32>
          %shift_left3A_532 = arith.shli %gather3A_529, %shift_left3A_531 : vector<16xi32>
          %bitcast3A_533 = vector.bitcast %shift_left3A_532 : vector<16xi32> to vector<16xf32>
          %bitcast3A_534 = vector.bitcast %gather3A_529 : vector<16xi32> to vector<16xf32>
          %mul3A_535 = arith.mulf %mul3A_435, %bitcast3A_533 : vector<16xf32>
          %mul3A_536 = arith.mulf %mul3A_436, %bitcast3A_534 : vector<16xf32>
          %add3A_537 = arith.addf %mul3A_502, %mul3A_503 : vector<16xf32>
          %add3A_538 = arith.addf %mul3A_513, %mul3A_514 : vector<16xf32>
          %add3A_539 = arith.addf %add3A_537, %add3A_538 : vector<16xf32>
          %add3A_540 = arith.addf %mul3A_524, %mul3A_525 : vector<16xf32>
          %add3A_541 = arith.addf %mul3A_535, %mul3A_536 : vector<16xf32>
          %add3A_542 = arith.addf %add3A_540, %add3A_541 : vector<16xf32>
          %add3A_543 = arith.addf %add3A_539, %add3A_542 : vector<16xf32>
          %swap3A_544 = arith.index_cast %scan3A_291 : i32 to index
          %swap3A_545 = arith.index_cast %mul3A_415 : i32 to index
          %swap3A_546 = tpu.vector_load %arg13[%swap3A_544, %swap3A_545] {strides = array<i32>} : memref<2x512xf32, #tpu.memory_space<vmem>>, vector<16xf32>,
          tpu.vector_store %arg13[%swap3A_544, %swap3A_545], %add3A_543 {strides = array<i32>} : memref<2x512xf32, #tpu.memory_space<vmem>>, vector<16xf32>,
          %add3A_547 = arith.constant 0 : i32
          %add3A_548 = vector.broadcast %add3A_547 : i32 to vector<16xi32>
          %add3A_549 = arith.addi %add3A_442, %add3A_548 : vector<16xi32>
          %gather3A_550 = tpu.vector_load_idx %arg5[%add3A_549] : memref<107824xi32, #tpu.memory_space<vmem>>[vector<16xi32>], vector<16xi32>,
          %shift_left3A_551 = arith.constant 16 : i32
          %shift_left3A_552 = vector.broadcast %shift_left3A_551 : i32 to vector<16xi32>
          %shift_left3A_553 = arith.shli %gather3A_550, %shift_left3A_552 : vector<16xi32>
          %bitcast3A_554 = vector.bitcast %shift_left3A_553 : vector<16xi32> to vector<16xf32>
          %bitcast3A_555 = vector.bitcast %gather3A_550 : vector<16xi32> to vector<16xf32>
          %mul3A_556 = arith.mulf %mul3A_429, %bitcast3A_554 : vector<16xf32>
          %mul3A_557 = arith.mulf %mul3A_430, %bitcast3A_555 : vector<16xf32>
          %add3A_558 = arith.constant 33 : i32
          %add3A_559 = vector.broadcast %add3A_558 : i32 to vector<16xi32>
          %add3A_560 = arith.addi %add3A_442, %add3A_559 : vector<16xi32>
          %gather3A_561 = tpu.vector_load_idx %arg5[%add3A_560] : memref<107824xi32, #tpu.memory_space<vmem>>[vector<16xi32>], vector<16xi32>,
          %shift_left3A_562 = arith.constant 16 : i32
          %shift_left3A_563 = vector.broadcast %shift_left3A_562 : i32 to vector<16xi32>
          %shift_left3A_564 = arith.shli %gather3A_561, %shift_left3A_563 : vector<16xi32>
          %bitcast3A_565 = vector.bitcast %shift_left3A_564 : vector<16xi32> to vector<16xf32>
          %bitcast3A_566 = vector.bitcast %gather3A_561 : vector<16xi32> to vector<16xf32>
          %mul3A_567 = arith.mulf %mul3A_431, %bitcast3A_565 : vector<16xf32>
          %mul3A_568 = arith.mulf %mul3A_432, %bitcast3A_566 : vector<16xf32>
          %add3A_569 = arith.constant 1089 : i32
          %add3A_570 = vector.broadcast %add3A_569 : i32 to vector<16xi32>
          %add3A_571 = arith.addi %add3A_442, %add3A_570 : vector<16xi32>
          %gather3A_572 = tpu.vector_load_idx %arg5[%add3A_571] : memref<107824xi32, #tpu.memory_space<vmem>>[vector<16xi32>], vector<16xi32>,
          %shift_left3A_573 = arith.constant 16 : i32
          %shift_left3A_574 = vector.broadcast %shift_left3A_573 : i32 to vector<16xi32>
          %shift_left3A_575 = arith.shli %gather3A_572, %shift_left3A_574 : vector<16xi32>
          %bitcast3A_576 = vector.bitcast %shift_left3A_575 : vector<16xi32> to vector<16xf32>
          %bitcast3A_577 = vector.bitcast %gather3A_572 : vector<16xi32> to vector<16xf32>
          %mul3A_578 = arith.mulf %mul3A_433, %bitcast3A_576 : vector<16xf32>
          %mul3A_579 = arith.mulf %mul3A_434, %bitcast3A_577 : vector<16xf32>
          %add3A_580 = arith.constant 1122 : i32
          %add3A_581 = vector.broadcast %add3A_580 : i32 to vector<16xi32>
          %add3A_582 = arith.addi %add3A_442, %add3A_581 : vector<16xi32>
          %gather3A_583 = tpu.vector_load_idx %arg5[%add3A_582] : memref<107824xi32, #tpu.memory_space<vmem>>[vector<16xi32>], vector<16xi32>,
          %shift_left3A_584 = arith.constant 16 : i32
          %shift_left3A_585 = vector.broadcast %shift_left3A_584 : i32 to vector<16xi32>
          %shift_left3A_586 = arith.shli %gather3A_583, %shift_left3A_585 : vector<16xi32>
          %bitcast3A_587 = vector.bitcast %shift_left3A_586 : vector<16xi32> to vector<16xf32>
          %bitcast3A_588 = vector.bitcast %gather3A_583 : vector<16xi32> to vector<16xf32>
          %mul3A_589 = arith.mulf %mul3A_435, %bitcast3A_587 : vector<16xf32>
          %mul3A_590 = arith.mulf %mul3A_436, %bitcast3A_588 : vector<16xf32>
          %add3A_591 = arith.addf %mul3A_556, %mul3A_557 : vector<16xf32>
          %add3A_592 = arith.addf %mul3A_567, %mul3A_568 : vector<16xf32>
          %add3A_593 = arith.addf %add3A_591, %add3A_592 : vector<16xf32>
          %add3A_594 = arith.addf %mul3A_578, %mul3A_579 : vector<16xf32>
          %add3A_595 = arith.addf %mul3A_589, %mul3A_590 : vector<16xf32>
          %add3A_596 = arith.addf %add3A_594, %add3A_595 : vector<16xf32>
          %add3A_597 = arith.addf %add3A_593, %add3A_596 : vector<16xf32>
          %swap3A_598 = arith.index_cast %scan3A_291 : i32 to index
          %swap3A_599 = arith.index_cast %mul3A_415 : i32 to index
          %swap3A_600 = tpu.vector_load %arg14[%swap3A_598, %swap3A_599] {strides = array<i32>} : memref<2x512xf32, #tpu.memory_space<vmem>>, vector<16xf32>,
          tpu.vector_store %arg14[%swap3A_598, %swap3A_599], %add3A_597 {strides = array<i32>} : memref<2x512xf32, #tpu.memory_space<vmem>>, vector<16xf32>,
          scf.yield %add3A_413, %sub3A_383, %sub3A_385, %sub3A_387 : vector<16xi32>, vector<16xf32>, vector<16xf32>, vector<16xf32>
        }
        %scan3A_348 = arith.constant 32 : i32
        %scan3A_349 = arith.constant 0 : i32
        scf.yield %scan3A_349 : i32
      }
      %scan3A_190 = arith.constant 2 : i32
      %mul3A_191 = arith.constant 2 : i32
      %mul3A_192 = arith.muli %add3A_125, %mul3A_191 : i32
      %add3A_193 = arith.addi %mul3A_32, %mul3A_192 : i32
      %dma_start3A_194 = arith.constant 0 : i32
      %dma_start3A_195 = arith.constant 0 : i32
      %dma_start3A_196 = tpu.memref_slice %arg4[%select_n3A, %dma_start3A_194, %add3A_193, %dma_start3A_195] : memref<8x3x512x512xf32, #tpu.memory_space<hbm>> -> memref<1x1x2x512xf32, #tpu.memory_space<hbm>>
      %dma_start3A_197 = tpu.memref_squeeze %dma_start3A_196 : memref<1x1x2x512xf32, #tpu.memory_space<hbm>> -> memref<2x512xf32, #tpu.memory_space<hbm>>
      %dma_start3A_198 = arith.constant 0 : i32
      %dma_start3A_199 = tpu.memref_slice %arg4[%select_n3A, %dma_start3A_194, %add3A_193, %dma_start3A_198] : memref<8x3x512x512xf32, #tpu.memory_space<hbm>> -> memref<1x1x2x512xf32, #tpu.memory_space<hbm>>
      %dma_start3A_200 = tpu.memref_squeeze %dma_start3A_199 : memref<1x1x2x512xf32, #tpu.memory_space<hbm>> -> memref<2x512xf32, #tpu.memory_space<hbm>>
      tpu.enqueue_dma source(%arg12 : memref<2x512xf32, #tpu.memory_space<vmem>>) target(%dma_start3A_200 : memref<2x512xf32, #tpu.memory_space<hbm>>) target_semaphore(%arg20 : memref<!tpu.dma_semaphore, #tpu.memory_space<semaphore_mem>>)
      %dma_start3A_201 = arith.constant 1 : i32
      %dma_start3A_202 = arith.constant 0 : i32
      %dma_start3A_203 = tpu.memref_slice %arg4[%select_n3A, %dma_start3A_201, %add3A_193, %dma_start3A_202] : memref<8x3x512x512xf32, #tpu.memory_space<hbm>> -> memref<1x1x2x512xf32, #tpu.memory_space<hbm>>
      %dma_start3A_204 = tpu.memref_squeeze %dma_start3A_203 : memref<1x1x2x512xf32, #tpu.memory_space<hbm>> -> memref<2x512xf32, #tpu.memory_space<hbm>>
      %dma_start3A_205 = arith.constant 0 : i32
      %dma_start3A_206 = tpu.memref_slice %arg4[%select_n3A, %dma_start3A_201, %add3A_193, %dma_start3A_205] : memref<8x3x512x512xf32, #tpu.memory_space<hbm>> -> memref<1x1x2x512xf32, #tpu.memory_space<hbm>>
      %dma_start3A_207 = tpu.memref_squeeze %dma_start3A_206 : memref<1x1x2x512xf32, #tpu.memory_space<hbm>> -> memref<2x512xf32, #tpu.memory_space<hbm>>
      tpu.enqueue_dma source(%arg13 : memref<2x512xf32, #tpu.memory_space<vmem>>) target(%dma_start3A_207 : memref<2x512xf32, #tpu.memory_space<hbm>>) target_semaphore(%arg20 : memref<!tpu.dma_semaphore, #tpu.memory_space<semaphore_mem>>)
      %dma_start3A_208 = arith.constant 2 : i32
      %dma_start3A_209 = arith.constant 0 : i32
      %dma_start3A_210 = tpu.memref_slice %arg4[%select_n3A, %dma_start3A_208, %add3A_193, %dma_start3A_209] : memref<8x3x512x512xf32, #tpu.memory_space<hbm>> -> memref<1x1x2x512xf32, #tpu.memory_space<hbm>>
      %dma_start3A_211 = tpu.memref_squeeze %dma_start3A_210 : memref<1x1x2x512xf32, #tpu.memory_space<hbm>> -> memref<2x512xf32, #tpu.memory_space<hbm>>
      %dma_start3A_212 = arith.constant 0 : i32
      %dma_start3A_213 = tpu.memref_slice %arg4[%select_n3A, %dma_start3A_208, %add3A_193, %dma_start3A_212] : memref<8x3x512x512xf32, #tpu.memory_space<hbm>> -> memref<1x1x2x512xf32, #tpu.memory_space<hbm>>
      %dma_start3A_214 = tpu.memref_squeeze %dma_start3A_213 : memref<1x1x2x512xf32, #tpu.memory_space<hbm>> -> memref<2x512xf32, #tpu.memory_space<hbm>>
      tpu.enqueue_dma source(%arg14 : memref<2x512xf32, #tpu.memory_space<vmem>>) target(%dma_start3A_214 : memref<2x512xf32, #tpu.memory_space<hbm>>) target_semaphore(%arg20 : memref<!tpu.dma_semaphore, #tpu.memory_space<semaphore_mem>>)
      %lt3A_215 = arith.constant 31 : i32
      %lt3A_216 = arith.cmpi slt, %scan3A_120, %lt3A_215 : i32
      %convert_element_type3A_217 = arith.extui %lt3A_216 : i1 to i32
      %cond3A_218 = arith.constant 0 : i32
      %cond3A_219 = arith.cmpi ne, %convert_element_type3A_217, %cond3A_218 : i32
      scf.if %cond3A_219 {
        %add3A_291 = arith.constant 2 : i32
        %add3A_292 = arith.addi %add3A_125, %add3A_291 : i32
        %mul3A_293 = arith.constant 2 : i32
        %mul3A_294 = arith.muli %add3A_292, %mul3A_293 : i32
        %add3A_295 = arith.addi %mul3A_32, %mul3A_294 : i32
        %dma_start3A_296 = arith.constant 0 : i32
        %dma_start3A_297 = arith.constant 0 : i32
        %dma_start3A_298 = tpu.memref_slice %arg3[%select_n3A, %dma_start3A_296, %add3A_295, %dma_start3A_297] : memref<8x3x512x512xf32, #tpu.memory_space<hbm>> -> memref<1x1x2x512xf32, #tpu.memory_space<hbm>>
        %dma_start3A_299 = tpu.memref_squeeze %dma_start3A_298 : memref<1x1x2x512xf32, #tpu.memory_space<hbm>> -> memref<2x512xf32, #tpu.memory_space<hbm>>
        %dma_start3A_300 = arith.constant 0 : i32
        %dma_start3A_301 = tpu.memref_slice %arg3[%select_n3A, %dma_start3A_296, %add3A_295, %dma_start3A_300] : memref<8x3x512x512xf32, #tpu.memory_space<hbm>> -> memref<1x1x2x512xf32, #tpu.memory_space<hbm>>
        %dma_start3A_302 = tpu.memref_squeeze %dma_start3A_301 : memref<1x1x2x512xf32, #tpu.memory_space<hbm>> -> memref<2x512xf32, #tpu.memory_space<hbm>>
        tpu.enqueue_dma source(%dma_start3A_302 : memref<2x512xf32, #tpu.memory_space<hbm>>) target(%arg6 : memref<2x512xf32, #tpu.memory_space<vmem>>) target_semaphore(%arg18 : memref<!tpu.dma_semaphore, #tpu.memory_space<semaphore_mem>>)
        %dma_start3A_303 = arith.constant 1 : i32
        %dma_start3A_304 = arith.constant 0 : i32
        %dma_start3A_305 = tpu.memref_slice %arg3[%select_n3A, %dma_start3A_303, %add3A_295, %dma_start3A_304] : memref<8x3x512x512xf32, #tpu.memory_space<hbm>> -> memref<1x1x2x512xf32, #tpu.memory_space<hbm>>
        %dma_start3A_306 = tpu.memref_squeeze %dma_start3A_305 : memref<1x1x2x512xf32, #tpu.memory_space<hbm>> -> memref<2x512xf32, #tpu.memory_space<hbm>>
        %dma_start3A_307 = arith.constant 0 : i32
        %dma_start3A_308 = tpu.memref_slice %arg3[%select_n3A, %dma_start3A_303, %add3A_295, %dma_start3A_307] : memref<8x3x512x512xf32, #tpu.memory_space<hbm>> -> memref<1x1x2x512xf32, #tpu.memory_space<hbm>>
        %dma_start3A_309 = tpu.memref_squeeze %dma_start3A_308 : memref<1x1x2x512xf32, #tpu.memory_space<hbm>> -> memref<2x512xf32, #tpu.memory_space<hbm>>
        tpu.enqueue_dma source(%dma_start3A_309 : memref<2x512xf32, #tpu.memory_space<hbm>>) target(%arg7 : memref<2x512xf32, #tpu.memory_space<vmem>>) target_semaphore(%arg18 : memref<!tpu.dma_semaphore, #tpu.memory_space<semaphore_mem>>)
        %dma_start3A_310 = arith.constant 2 : i32
        %dma_start3A_311 = arith.constant 0 : i32
        %dma_start3A_312 = tpu.memref_slice %arg3[%select_n3A, %dma_start3A_310, %add3A_295, %dma_start3A_311] : memref<8x3x512x512xf32, #tpu.memory_space<hbm>> -> memref<1x1x2x512xf32, #tpu.memory_space<hbm>>
        %dma_start3A_313 = tpu.memref_squeeze %dma_start3A_312 : memref<1x1x2x512xf32, #tpu.memory_space<hbm>> -> memref<2x512xf32, #tpu.memory_space<hbm>>
        %dma_start3A_314 = arith.constant 0 : i32
        %dma_start3A_315 = tpu.memref_slice %arg3[%select_n3A, %dma_start3A_310, %add3A_295, %dma_start3A_314] : memref<8x3x512x512xf32, #tpu.memory_space<hbm>> -> memref<1x1x2x512xf32, #tpu.memory_space<hbm>>
        %dma_start3A_316 = tpu.memref_squeeze %dma_start3A_315 : memref<1x1x2x512xf32, #tpu.memory_space<hbm>> -> memref<2x512xf32, #tpu.memory_space<hbm>>
        tpu.enqueue_dma source(%dma_start3A_316 : memref<2x512xf32, #tpu.memory_space<hbm>>) target(%arg8 : memref<2x512xf32, #tpu.memory_space<vmem>>) target_semaphore(%arg18 : memref<!tpu.dma_semaphore, #tpu.memory_space<semaphore_mem>>)
      } else {
      }
      %mul3A_220 = arith.constant 2 : i32
      %mul3A_221 = arith.muli %scan3A_120, %mul3A_220 : i32
      %add3A_222 = arith.constant 1 : i32
      %add3A_223 = arith.addi %mul3A_221, %add3A_222 : i32
      %dma_wait3A_224 = arith.constant 0 : i32
      %dma_wait3A_225 = arith.constant 0 : i32
      %dma_wait3A_226 = arith.constant 0 : i32
      %dma_wait3A_227 = arith.constant 0 : i32
      %dma_wait3A_228 = tpu.memref_slice %arg3[%dma_wait3A_224, %dma_wait3A_225, %dma_wait3A_226, %dma_wait3A_227] : memref<8x3x512x512xf32, #tpu.memory_space<hbm>> -> memref<1x1x2x512xf32, #tpu.memory_space<hbm>>
      %dma_wait3A_229 = tpu.memref_squeeze %dma_wait3A_228 : memref<1x1x2x512xf32, #tpu.memory_space<hbm>> -> memref<2x512xf32, #tpu.memory_space<hbm>>
      %dma_wait3A_230 = arith.constant 0 : i32
      %dma_wait3A_231 = arith.constant 0 : i32
      %dma_wait3A_232 = tpu.memref_slice %arg3[%dma_wait3A_224, %dma_wait3A_225, %dma_wait3A_230, %dma_wait3A_231] : memref<8x3x512x512xf32, #tpu.memory_space<hbm>> -> memref<1x1x2x512xf32, #tpu.memory_space<hbm>>
      %dma_wait3A_233 = tpu.memref_squeeze %dma_wait3A_232 : memref<1x1x2x512xf32, #tpu.memory_space<hbm>> -> memref<2x512xf32, #tpu.memory_space<hbm>>
      tpu.wait_dma2 semaphore(%arg19 : memref<!tpu.dma_semaphore, #tpu.memory_space<semaphore_mem>>) src(%dma_wait3A_233 : memref<2x512xf32, #tpu.memory_space<hbm>>) dst(%arg9 : memref<2x512xf32, #tpu.memory_space<vmem>>)
      %dma_wait3A_234 = arith.constant 0 : i32
      %dma_wait3A_235 = arith.constant 0 : i32
      %dma_wait3A_236 = arith.constant 0 : i32
      %dma_wait3A_237 = arith.constant 0 : i32
      %dma_wait3A_238 = tpu.memref_slice %arg3[%dma_wait3A_234, %dma_wait3A_235, %dma_wait3A_236, %dma_wait3A_237] : memref<8x3x512x512xf32, #tpu.memory_space<hbm>> -> memref<1x1x2x512xf32, #tpu.memory_space<hbm>>
      %dma_wait3A_239 = tpu.memref_squeeze %dma_wait3A_238 : memref<1x1x2x512xf32, #tpu.memory_space<hbm>> -> memref<2x512xf32, #tpu.memory_space<hbm>>
      %dma_wait3A_240 = arith.constant 0 : i32
      %dma_wait3A_241 = arith.constant 0 : i32
      %dma_wait3A_242 = tpu.memref_slice %arg3[%dma_wait3A_234, %dma_wait3A_235, %dma_wait3A_240, %dma_wait3A_241] : memref<8x3x512x512xf32, #tpu.memory_space<hbm>> -> memref<1x1x2x512xf32, #tpu.memory_space<hbm>>
      %dma_wait3A_243 = tpu.memref_squeeze %dma_wait3A_242 : memref<1x1x2x512xf32, #tpu.memory_space<hbm>> -> memref<2x512xf32, #tpu.memory_space<hbm>>
      tpu.wait_dma2 semaphore(%arg19 : memref<!tpu.dma_semaphore, #tpu.memory_space<semaphore_mem>>) src(%dma_wait3A_243 : memref<2x512xf32, #tpu.memory_space<hbm>>) dst(%arg10 : memref<2x512xf32, #tpu.memory_space<vmem>>)
      %dma_wait3A_244 = arith.constant 0 : i32
      %dma_wait3A_245 = arith.constant 0 : i32
      %dma_wait3A_246 = arith.constant 0 : i32
      %dma_wait3A_247 = arith.constant 0 : i32
      %dma_wait3A_248 = tpu.memref_slice %arg3[%dma_wait3A_244, %dma_wait3A_245, %dma_wait3A_246, %dma_wait3A_247] : memref<8x3x512x512xf32, #tpu.memory_space<hbm>> -> memref<1x1x2x512xf32, #tpu.memory_space<hbm>>
      %dma_wait3A_249 = tpu.memref_squeeze %dma_wait3A_248 : memref<1x1x2x512xf32, #tpu.memory_space<hbm>> -> memref<2x512xf32, #tpu.memory_space<hbm>>
      %dma_wait3A_250 = arith.constant 0 : i32
      %dma_wait3A_251 = arith.constant 0 : i32
      %dma_wait3A_252 = tpu.memref_slice %arg3[%dma_wait3A_244, %dma_wait3A_245, %dma_wait3A_250, %dma_wait3A_251] : memref<8x3x512x512xf32, #tpu.memory_space<hbm>> -> memref<1x1x2x512xf32, #tpu.memory_space<hbm>>
      %dma_wait3A_253 = tpu.memref_squeeze %dma_wait3A_252 : memref<1x1x2x512xf32, #tpu.memory_space<hbm>> -> memref<2x512xf32, #tpu.memory_space<hbm>>
      tpu.wait_dma2 semaphore(%arg19 : memref<!tpu.dma_semaphore, #tpu.memory_space<semaphore_mem>>) src(%dma_wait3A_253 : memref<2x512xf32, #tpu.memory_space<hbm>>) dst(%arg11 : memref<2x512xf32, #tpu.memory_space<vmem>>)
      %gt3A_254 = arith.constant 0 : i32
      %gt3A_255 = arith.cmpi sgt, %scan3A_120, %gt3A_254 : i32
      %convert_element_type3A_256 = arith.extui %gt3A_255 : i1 to i32
      %cond3A_257 = arith.constant 0 : i32
      %cond3A_258 = arith.cmpi ne, %convert_element_type3A_256, %cond3A_257 : i32
      scf.if %cond3A_258 {
        %dma_wait3A_291 = arith.constant 0 : i32
        %dma_wait3A_292 = arith.constant 0 : i32
        %dma_wait3A_293 = arith.constant 0 : i32
        %dma_wait3A_294 = arith.constant 0 : i32
        %dma_wait3A_295 = tpu.memref_slice %arg4[%dma_wait3A_291, %dma_wait3A_292, %dma_wait3A_293, %dma_wait3A_294] : memref<8x3x512x512xf32, #tpu.memory_space<hbm>> -> memref<1x1x2x512xf32, #tpu.memory_space<hbm>>
        %dma_wait3A_296 = tpu.memref_squeeze %dma_wait3A_295 : memref<1x1x2x512xf32, #tpu.memory_space<hbm>> -> memref<2x512xf32, #tpu.memory_space<hbm>>
        %dma_wait3A_297 = arith.constant 0 : i32
        %dma_wait3A_298 = arith.constant 0 : i32
        %dma_wait3A_299 = tpu.memref_slice %arg4[%dma_wait3A_291, %dma_wait3A_292, %dma_wait3A_297, %dma_wait3A_298] : memref<8x3x512x512xf32, #tpu.memory_space<hbm>> -> memref<1x1x2x512xf32, #tpu.memory_space<hbm>>
        %dma_wait3A_300 = tpu.memref_squeeze %dma_wait3A_299 : memref<1x1x2x512xf32, #tpu.memory_space<hbm>> -> memref<2x512xf32, #tpu.memory_space<hbm>>
        tpu.wait_dma2 semaphore(%arg21 : memref<!tpu.dma_semaphore, #tpu.memory_space<semaphore_mem>>) src(%arg15 : memref<2x512xf32, #tpu.memory_space<vmem>>) dst(%dma_wait3A_300 : memref<2x512xf32, #tpu.memory_space<hbm>>)
        %dma_wait3A_301 = arith.constant 0 : i32
        %dma_wait3A_302 = arith.constant 0 : i32
        %dma_wait3A_303 = arith.constant 0 : i32
        %dma_wait3A_304 = arith.constant 0 : i32
        %dma_wait3A_305 = tpu.memref_slice %arg4[%dma_wait3A_301, %dma_wait3A_302, %dma_wait3A_303, %dma_wait3A_304] : memref<8x3x512x512xf32, #tpu.memory_space<hbm>> -> memref<1x1x2x512xf32, #tpu.memory_space<hbm>>
        %dma_wait3A_306 = tpu.memref_squeeze %dma_wait3A_305 : memref<1x1x2x512xf32, #tpu.memory_space<hbm>> -> memref<2x512xf32, #tpu.memory_space<hbm>>
        %dma_wait3A_307 = arith.constant 0 : i32
        %dma_wait3A_308 = arith.constant 0 : i32
        %dma_wait3A_309 = tpu.memref_slice %arg4[%dma_wait3A_301, %dma_wait3A_302, %dma_wait3A_307, %dma_wait3A_308] : memref<8x3x512x512xf32, #tpu.memory_space<hbm>> -> memref<1x1x2x512xf32, #tpu.memory_space<hbm>>
        %dma_wait3A_310 = tpu.memref_squeeze %dma_wait3A_309 : memref<1x1x2x512xf32, #tpu.memory_space<hbm>> -> memref<2x512xf32, #tpu.memory_space<hbm>>
        tpu.wait_dma2 semaphore(%arg21 : memref<!tpu.dma_semaphore, #tpu.memory_space<semaphore_mem>>) src(%arg16 : memref<2x512xf32, #tpu.memory_space<vmem>>) dst(%dma_wait3A_310 : memref<2x512xf32, #tpu.memory_space<hbm>>)
        %dma_wait3A_311 = arith.constant 0 : i32
        %dma_wait3A_312 = arith.constant 0 : i32
        %dma_wait3A_313 = arith.constant 0 : i32
        %dma_wait3A_314 = arith.constant 0 : i32
        %dma_wait3A_315 = tpu.memref_slice %arg4[%dma_wait3A_311, %dma_wait3A_312, %dma_wait3A_313, %dma_wait3A_314] : memref<8x3x512x512xf32, #tpu.memory_space<hbm>> -> memref<1x1x2x512xf32, #tpu.memory_space<hbm>>
        %dma_wait3A_316 = tpu.memref_squeeze %dma_wait3A_315 : memref<1x1x2x512xf32, #tpu.memory_space<hbm>> -> memref<2x512xf32, #tpu.memory_space<hbm>>
        %dma_wait3A_317 = arith.constant 0 : i32
        %dma_wait3A_318 = arith.constant 0 : i32
        %dma_wait3A_319 = tpu.memref_slice %arg4[%dma_wait3A_311, %dma_wait3A_312, %dma_wait3A_317, %dma_wait3A_318] : memref<8x3x512x512xf32, #tpu.memory_space<hbm>> -> memref<1x1x2x512xf32, #tpu.memory_space<hbm>>
        %dma_wait3A_320 = tpu.memref_squeeze %dma_wait3A_319 : memref<1x1x2x512xf32, #tpu.memory_space<hbm>> -> memref<2x512xf32, #tpu.memory_space<hbm>>
        tpu.wait_dma2 semaphore(%arg21 : memref<!tpu.dma_semaphore, #tpu.memory_space<semaphore_mem>>) src(%arg17 : memref<2x512xf32, #tpu.memory_space<vmem>>) dst(%dma_wait3A_320 : memref<2x512xf32, #tpu.memory_space<hbm>>)
      } else {
      }
      %scan3A_259 = arith.constant 0 : i32
      %scan3A_260 = arith.constant 0 : i32
      %scan3A_261 = arith.constant 2 : i32
      %scan3A_262 = arith.addi %scan3A_260, %scan3A_261 : i32
      %scan3A_263 = arith.constant 1 : i32
      %scan3A_264 = scf.for %scan3A_291 = %scan3A_260 to %scan3A_262 step %scan3A_263 iter_args(%scan3A_292 = %scan3A_259) -> (i32)  : i32 {
        %get3A = arith.index_cast %scan3A_291 : i32 to index
        %get3A_293 = arith.constant 0 : index
        %get3A_294 = tpu.vector_load %arg9[%get3A, %get3A_293] {strides = array<i32>} : memref<2x512xf32, #tpu.memory_space<vmem>>, vector<16xf32>,
        %get3A_295 = arith.index_cast %scan3A_291 : i32 to index
        %get3A_296 = arith.constant 0 : index
        %get3A_297 = tpu.vector_load %arg10[%get3A_295, %get3A_296] {strides = array<i32>} : memref<2x512xf32, #tpu.memory_space<vmem>>, vector<16xf32>,
        %get3A_298 = arith.index_cast %scan3A_291 : i32 to index
        %get3A_299 = arith.constant 0 : index
        %get3A_300 = tpu.vector_load %arg11[%get3A_298, %get3A_299] {strides = array<i32>} : memref<2x512xf32, #tpu.memory_space<vmem>>, vector<16xf32>,
        %mul3A_301 = arith.constant 31.9999676 : f32
        %mul3A_302 = vector.broadcast %mul3A_301 : f32 to vector<16xf32>
        %mul3A_303 = arith.mulf %get3A_294, %mul3A_302 : vector<16xf32>
        %mul3A_304 = arith.constant 31.9999676 : f32
        %mul3A_305 = vector.broadcast %mul3A_304 : f32 to vector<16xf32>
        %mul3A_306 = arith.mulf %get3A_297, %mul3A_305 : vector<16xf32>
        %mul3A_307 = arith.constant 31.9999676 : f32
        %mul3A_308 = vector.broadcast %mul3A_307 : f32 to vector<16xf32>
        %mul3A_309 = arith.mulf %get3A_300, %mul3A_308 : vector<16xf32>
        %convert_element_type3A_310 = arith.fptosi %mul3A_303 : vector<16xf32> to vector<16xi32>
        %convert_element_type3A_311 = arith.fptosi %mul3A_306 : vector<16xf32> to vector<16xi32>
        %convert_element_type3A_312 = arith.fptosi %mul3A_309 : vector<16xf32> to vector<16xi32>
        %convert_element_type3A_313 = arith.sitofp %convert_element_type3A_310 : vector<16xi32> to vector<16xf32>
        %sub3A_314 = arith.subf %mul3A_303, %convert_element_type3A_313 : vector<16xf32>
        %convert_element_type3A_315 = arith.sitofp %convert_element_type3A_311 : vector<16xi32> to vector<16xf32>
        %sub3A_316 = arith.subf %mul3A_306, %convert_element_type3A_315 : vector<16xf32>
        %convert_element_type3A_317 = arith.sitofp %convert_element_type3A_312 : vector<16xi32> to vector<16xf32>
        %sub3A_318 = arith.subf %mul3A_309, %convert_element_type3A_317 : vector<16xf32>
        %max3A = arith.constant 0 : i32
        %max3A_319 = vector.broadcast %max3A : i32 to vector<16xi32>
        %max3A_320 = arith.maxsi %convert_element_type3A_310, %max3A_319 : vector<16xi32>
        %min3A = arith.constant 31 : i32
        %min3A_321 = vector.broadcast %min3A : i32 to vector<16xi32>
        %min3A_322 = arith.minsi %max3A_320, %min3A_321 : vector<16xi32>
        %max3A_323 = arith.constant 0 : i32
        %max3A_324 = vector.broadcast %max3A_323 : i32 to vector<16xi32>
        %max3A_325 = arith.maxsi %convert_element_type3A_311, %max3A_324 : vector<16xi32>
        %min3A_326 = arith.constant 31 : i32
        %min3A_327 = vector.broadcast %min3A_326 : i32 to vector<16xi32>
        %min3A_328 = arith.minsi %max3A_325, %min3A_327 : vector<16xi32>
        %max3A_329 = arith.constant 0 : i32
        %max3A_330 = vector.broadcast %max3A_329 : i32 to vector<16xi32>
        %max3A_331 = arith.maxsi %convert_element_type3A_312, %max3A_330 : vector<16xi32>
        %min3A_332 = arith.constant 31 : i32
        %min3A_333 = vector.broadcast %min3A_332 : i32 to vector<16xi32>
        %min3A_334 = arith.minsi %max3A_331, %min3A_333 : vector<16xi32>
        %mul3A_335 = arith.constant 33 : i32
        %mul3A_336 = vector.broadcast %mul3A_335 : i32 to vector<16xi32>
        %mul3A_337 = arith.muli %min3A_328, %mul3A_336 : vector<16xi32>
        %add3A_338 = arith.addi %min3A_322, %mul3A_337 : vector<16xi32>
        %mul3A_339 = arith.constant 1089 : i32
        %mul3A_340 = vector.broadcast %mul3A_339 : i32 to vector<16xi32>
        %mul3A_341 = arith.muli %min3A_334, %mul3A_340 : vector<16xi32>
        %add3A_342 = arith.addi %add3A_338, %mul3A_341 : vector<16xi32>
        %scan3A_343 = arith.constant 0 : i32
        %scan3A_344 = arith.constant 32 : i32
        %scan3A_345 = arith.addi %scan3A_343, %scan3A_344 : i32
        %scan3A_346 = arith.constant 1 : i32
        %scan3A_347:4 = scf.for %scan3A_350 = %scan3A_343 to %scan3A_345 step %scan3A_346 iter_args(%scan3A_351 = %add3A_342, %scan3A_352 = %sub3A_314, %scan3A_353 = %sub3A_316, %scan3A_354 = %sub3A_318) -> (vector<16xi32>, vector<16xf32>, vector<16xf32>, vector<16xf32>)  : i32 {
          %add3A_355 = arith.constant 1 : i32
          %add3A_356 = arith.addi %scan3A_350, %add3A_355 : i32
          %min3A_357 = arith.constant 31 : i32
          %min3A_358 = arith.minsi %add3A_356, %min3A_357 : i32
          %mul3A_359 = arith.constant 16 : i32
          %mul3A_360 = arith.muli %min3A_358, %mul3A_359 : i32
          %get3A_361 = arith.index_cast %scan3A_291 : i32 to index
          %get3A_362 = arith.index_cast %mul3A_360 : i32 to index
          %get3A_363 = tpu.vector_load %arg9[%get3A_361, %get3A_362] {strides = array<i32>} : memref<2x512xf32, #tpu.memory_space<vmem>>, vector<16xf32>,
          %get3A_364 = arith.index_cast %scan3A_291 : i32 to index
          %get3A_365 = arith.index_cast %mul3A_360 : i32 to index
          %get3A_366 = tpu.vector_load %arg10[%get3A_364, %get3A_365] {strides = array<i32>} : memref<2x512xf32, #tpu.memory_space<vmem>>, vector<16xf32>,
          %get3A_367 = arith.index_cast %scan3A_291 : i32 to index
          %get3A_368 = arith.index_cast %mul3A_360 : i32 to index
          %get3A_369 = tpu.vector_load %arg11[%get3A_367, %get3A_368] {strides = array<i32>} : memref<2x512xf32, #tpu.memory_space<vmem>>, vector<16xf32>,
          %mul3A_370 = arith.constant 31.9999676 : f32
          %mul3A_371 = vector.broadcast %mul3A_370 : f32 to vector<16xf32>
          %mul3A_372 = arith.mulf %get3A_363, %mul3A_371 : vector<16xf32>
          %mul3A_373 = arith.constant 31.9999676 : f32
          %mul3A_374 = vector.broadcast %mul3A_373 : f32 to vector<16xf32>
          %mul3A_375 = arith.mulf %get3A_366, %mul3A_374 : vector<16xf32>
          %mul3A_376 = arith.constant 31.9999676 : f32
          %mul3A_377 = vector.broadcast %mul3A_376 : f32 to vector<16xf32>
          %mul3A_378 = arith.mulf %get3A_369, %mul3A_377 : vector<16xf32>
          %convert_element_type3A_379 = arith.fptosi %mul3A_372 : vector<16xf32> to vector<16xi32>
          %convert_element_type3A_380 = arith.fptosi %mul3A_375 : vector<16xf32> to vector<16xi32>
          %convert_element_type3A_381 = arith.fptosi %mul3A_378 : vector<16xf32> to vector<16xi32>
          %convert_element_type3A_382 = arith.sitofp %convert_element_type3A_379 : vector<16xi32> to vector<16xf32>
          %sub3A_383 = arith.subf %mul3A_372, %convert_element_type3A_382 : vector<16xf32>
          %convert_element_type3A_384 = arith.sitofp %convert_element_type3A_380 : vector<16xi32> to vector<16xf32>
          %sub3A_385 = arith.subf %mul3A_375, %convert_element_type3A_384 : vector<16xf32>
          %convert_element_type3A_386 = arith.sitofp %convert_element_type3A_381 : vector<16xi32> to vector<16xf32>
          %sub3A_387 = arith.subf %mul3A_378, %convert_element_type3A_386 : vector<16xf32>
          %max3A_388 = arith.constant 0 : i32
          %max3A_389 = vector.broadcast %max3A_388 : i32 to vector<16xi32>
          %max3A_390 = arith.maxsi %convert_element_type3A_379, %max3A_389 : vector<16xi32>
          %min3A_391 = arith.constant 31 : i32
          %min3A_392 = vector.broadcast %min3A_391 : i32 to vector<16xi32>
          %min3A_393 = arith.minsi %max3A_390, %min3A_392 : vector<16xi32>
          %max3A_394 = arith.constant 0 : i32
          %max3A_395 = vector.broadcast %max3A_394 : i32 to vector<16xi32>
          %max3A_396 = arith.maxsi %convert_element_type3A_380, %max3A_395 : vector<16xi32>
          %min3A_397 = arith.constant 31 : i32
          %min3A_398 = vector.broadcast %min3A_397 : i32 to vector<16xi32>
          %min3A_399 = arith.minsi %max3A_396, %min3A_398 : vector<16xi32>
          %max3A_400 = arith.constant 0 : i32
          %max3A_401 = vector.broadcast %max3A_400 : i32 to vector<16xi32>
          %max3A_402 = arith.maxsi %convert_element_type3A_381, %max3A_401 : vector<16xi32>
          %min3A_403 = arith.constant 31 : i32
          %min3A_404 = vector.broadcast %min3A_403 : i32 to vector<16xi32>
          %min3A_405 = arith.minsi %max3A_402, %min3A_404 : vector<16xi32>
          %mul3A_406 = arith.constant 33 : i32
          %mul3A_407 = vector.broadcast %mul3A_406 : i32 to vector<16xi32>
          %mul3A_408 = arith.muli %min3A_399, %mul3A_407 : vector<16xi32>
          %add3A_409 = arith.addi %min3A_393, %mul3A_408 : vector<16xi32>
          %mul3A_410 = arith.constant 1089 : i32
          %mul3A_411 = vector.broadcast %mul3A_410 : i32 to vector<16xi32>
          %mul3A_412 = arith.muli %min3A_405, %mul3A_411 : vector<16xi32>
          %add3A_413 = arith.addi %add3A_409, %mul3A_412 : vector<16xi32>
          %mul3A_414 = arith.constant 16 : i32
          %mul3A_415 = arith.muli %scan3A_350, %mul3A_414 : i32
          %sub3A_416 = arith.constant 1.000000e+00 : f32
          %sub3A_417 = vector.broadcast %sub3A_416 : f32 to vector<16xf32>
          %sub3A_418 = arith.subf %sub3A_417, %scan3A_352 : vector<16xf32>
          %sub3A_419 = arith.constant 1.000000e+00 : f32
          %sub3A_420 = vector.broadcast %sub3A_419 : f32 to vector<16xf32>
          %sub3A_421 = arith.subf %sub3A_420, %scan3A_353 : vector<16xf32>
          %sub3A_422 = arith.constant 1.000000e+00 : f32
          %sub3A_423 = vector.broadcast %sub3A_422 : f32 to vector<16xf32>
          %sub3A_424 = arith.subf %sub3A_423, %scan3A_354 : vector<16xf32>
          %mul3A_425 = arith.mulf %sub3A_418, %sub3A_421 : vector<16xf32>
          %mul3A_426 = arith.mulf %scan3A_352, %sub3A_421 : vector<16xf32>
          %mul3A_427 = arith.mulf %sub3A_418, %scan3A_353 : vector<16xf32>
          %mul3A_428 = arith.mulf %scan3A_352, %scan3A_353 : vector<16xf32>
          %mul3A_429 = arith.mulf %mul3A_425, %sub3A_424 : vector<16xf32>
          %mul3A_430 = arith.mulf %mul3A_426, %sub3A_424 : vector<16xf32>
          %mul3A_431 = arith.mulf %mul3A_427, %sub3A_424 : vector<16xf32>
          %mul3A_432 = arith.mulf %mul3A_428, %sub3A_424 : vector<16xf32>
          %mul3A_433 = arith.mulf %mul3A_425, %scan3A_354 : vector<16xf32>
          %mul3A_434 = arith.mulf %mul3A_426, %scan3A_354 : vector<16xf32>
          %mul3A_435 = arith.mulf %mul3A_427, %scan3A_354 : vector<16xf32>
          %mul3A_436 = arith.mulf %mul3A_428, %scan3A_354 : vector<16xf32>
          %add3A_437 = arith.constant 35937 : i32
          %add3A_438 = vector.broadcast %add3A_437 : i32 to vector<16xi32>
          %add3A_439 = arith.addi %scan3A_351, %add3A_438 : vector<16xi32>
          %add3A_440 = arith.constant 71874 : i32
          %add3A_441 = vector.broadcast %add3A_440 : i32 to vector<16xi32>
          %add3A_442 = arith.addi %scan3A_351, %add3A_441 : vector<16xi32>
          %add3A_443 = arith.constant 0 : i32
          %add3A_444 = vector.broadcast %add3A_443 : i32 to vector<16xi32>
          %add3A_445 = arith.addi %scan3A_351, %add3A_444 : vector<16xi32>
          %gather3A = tpu.vector_load_idx %arg5[%add3A_445] : memref<107824xi32, #tpu.memory_space<vmem>>[vector<16xi32>], vector<16xi32>,
          %shift_left3A = arith.constant 16 : i32
          %shift_left3A_446 = vector.broadcast %shift_left3A : i32 to vector<16xi32>
          %shift_left3A_447 = arith.shli %gather3A, %shift_left3A_446 : vector<16xi32>
          %bitcast3A = vector.bitcast %shift_left3A_447 : vector<16xi32> to vector<16xf32>
          %bitcast3A_448 = vector.bitcast %gather3A : vector<16xi32> to vector<16xf32>
          %mul3A_449 = arith.mulf %mul3A_429, %bitcast3A : vector<16xf32>
          %mul3A_450 = arith.mulf %mul3A_430, %bitcast3A_448 : vector<16xf32>
          %add3A_451 = arith.constant 33 : i32
          %add3A_452 = vector.broadcast %add3A_451 : i32 to vector<16xi32>
          %add3A_453 = arith.addi %scan3A_351, %add3A_452 : vector<16xi32>
          %gather3A_454 = tpu.vector_load_idx %arg5[%add3A_453] : memref<107824xi32, #tpu.memory_space<vmem>>[vector<16xi32>], vector<16xi32>,
          %shift_left3A_455 = arith.constant 16 : i32
          %shift_left3A_456 = vector.broadcast %shift_left3A_455 : i32 to vector<16xi32>
          %shift_left3A_457 = arith.shli %gather3A_454, %shift_left3A_456 : vector<16xi32>
          %bitcast3A_458 = vector.bitcast %shift_left3A_457 : vector<16xi32> to vector<16xf32>
          %bitcast3A_459 = vector.bitcast %gather3A_454 : vector<16xi32> to vector<16xf32>
          %mul3A_460 = arith.mulf %mul3A_431, %bitcast3A_458 : vector<16xf32>
          %mul3A_461 = arith.mulf %mul3A_432, %bitcast3A_459 : vector<16xf32>
          %add3A_462 = arith.constant 1089 : i32
          %add3A_463 = vector.broadcast %add3A_462 : i32 to vector<16xi32>
          %add3A_464 = arith.addi %scan3A_351, %add3A_463 : vector<16xi32>
          %gather3A_465 = tpu.vector_load_idx %arg5[%add3A_464] : memref<107824xi32, #tpu.memory_space<vmem>>[vector<16xi32>], vector<16xi32>,
          %shift_left3A_466 = arith.constant 16 : i32
          %shift_left3A_467 = vector.broadcast %shift_left3A_466 : i32 to vector<16xi32>
          %shift_left3A_468 = arith.shli %gather3A_465, %shift_left3A_467 : vector<16xi32>
          %bitcast3A_469 = vector.bitcast %shift_left3A_468 : vector<16xi32> to vector<16xf32>
          %bitcast3A_470 = vector.bitcast %gather3A_465 : vector<16xi32> to vector<16xf32>
          %mul3A_471 = arith.mulf %mul3A_433, %bitcast3A_469 : vector<16xf32>
          %mul3A_472 = arith.mulf %mul3A_434, %bitcast3A_470 : vector<16xf32>
          %add3A_473 = arith.constant 1122 : i32
          %add3A_474 = vector.broadcast %add3A_473 : i32 to vector<16xi32>
          %add3A_475 = arith.addi %scan3A_351, %add3A_474 : vector<16xi32>
          %gather3A_476 = tpu.vector_load_idx %arg5[%add3A_475] : memref<107824xi32, #tpu.memory_space<vmem>>[vector<16xi32>], vector<16xi32>,
          %shift_left3A_477 = arith.constant 16 : i32
          %shift_left3A_478 = vector.broadcast %shift_left3A_477 : i32 to vector<16xi32>
          %shift_left3A_479 = arith.shli %gather3A_476, %shift_left3A_478 : vector<16xi32>
          %bitcast3A_480 = vector.bitcast %shift_left3A_479 : vector<16xi32> to vector<16xf32>
          %bitcast3A_481 = vector.bitcast %gather3A_476 : vector<16xi32> to vector<16xf32>
          %mul3A_482 = arith.mulf %mul3A_435, %bitcast3A_480 : vector<16xf32>
          %mul3A_483 = arith.mulf %mul3A_436, %bitcast3A_481 : vector<16xf32>
          %add3A_484 = arith.addf %mul3A_449, %mul3A_450 : vector<16xf32>
          %add3A_485 = arith.addf %mul3A_460, %mul3A_461 : vector<16xf32>
          %add3A_486 = arith.addf %add3A_484, %add3A_485 : vector<16xf32>
          %add3A_487 = arith.addf %mul3A_471, %mul3A_472 : vector<16xf32>
          %add3A_488 = arith.addf %mul3A_482, %mul3A_483 : vector<16xf32>
          %add3A_489 = arith.addf %add3A_487, %add3A_488 : vector<16xf32>
          %add3A_490 = arith.addf %add3A_486, %add3A_489 : vector<16xf32>
          %swap3A = arith.index_cast %scan3A_291 : i32 to index
          %swap3A_491 = arith.index_cast %mul3A_415 : i32 to index
          %swap3A_492 = tpu.vector_load %arg15[%swap3A, %swap3A_491] {strides = array<i32>} : memref<2x512xf32, #tpu.memory_space<vmem>>, vector<16xf32>,
          tpu.vector_store %arg15[%swap3A, %swap3A_491], %add3A_490 {strides = array<i32>} : memref<2x512xf32, #tpu.memory_space<vmem>>, vector<16xf32>,
          %add3A_493 = arith.constant 0 : i32
          %add3A_494 = vector.broadcast %add3A_493 : i32 to vector<16xi32>
          %add3A_495 = arith.addi %add3A_439, %add3A_494 : vector<16xi32>
          %gather3A_496 = tpu.vector_load_idx %arg5[%add3A_495] : memref<107824xi32, #tpu.memory_space<vmem>>[vector<16xi32>], vector<16xi32>,
          %shift_left3A_497 = arith.constant 16 : i32
          %shift_left3A_498 = vector.broadcast %shift_left3A_497 : i32 to vector<16xi32>
          %shift_left3A_499 = arith.shli %gather3A_496, %shift_left3A_498 : vector<16xi32>
          %bitcast3A_500 = vector.bitcast %shift_left3A_499 : vector<16xi32> to vector<16xf32>
          %bitcast3A_501 = vector.bitcast %gather3A_496 : vector<16xi32> to vector<16xf32>
          %mul3A_502 = arith.mulf %mul3A_429, %bitcast3A_500 : vector<16xf32>
          %mul3A_503 = arith.mulf %mul3A_430, %bitcast3A_501 : vector<16xf32>
          %add3A_504 = arith.constant 33 : i32
          %add3A_505 = vector.broadcast %add3A_504 : i32 to vector<16xi32>
          %add3A_506 = arith.addi %add3A_439, %add3A_505 : vector<16xi32>
          %gather3A_507 = tpu.vector_load_idx %arg5[%add3A_506] : memref<107824xi32, #tpu.memory_space<vmem>>[vector<16xi32>], vector<16xi32>,
          %shift_left3A_508 = arith.constant 16 : i32
          %shift_left3A_509 = vector.broadcast %shift_left3A_508 : i32 to vector<16xi32>
          %shift_left3A_510 = arith.shli %gather3A_507, %shift_left3A_509 : vector<16xi32>
          %bitcast3A_511 = vector.bitcast %shift_left3A_510 : vector<16xi32> to vector<16xf32>
          %bitcast3A_512 = vector.bitcast %gather3A_507 : vector<16xi32> to vector<16xf32>
          %mul3A_513 = arith.mulf %mul3A_431, %bitcast3A_511 : vector<16xf32>
          %mul3A_514 = arith.mulf %mul3A_432, %bitcast3A_512 : vector<16xf32>
          %add3A_515 = arith.constant 1089 : i32
          %add3A_516 = vector.broadcast %add3A_515 : i32 to vector<16xi32>
          %add3A_517 = arith.addi %add3A_439, %add3A_516 : vector<16xi32>
          %gather3A_518 = tpu.vector_load_idx %arg5[%add3A_517] : memref<107824xi32, #tpu.memory_space<vmem>>[vector<16xi32>], vector<16xi32>,
          %shift_left3A_519 = arith.constant 16 : i32
          %shift_left3A_520 = vector.broadcast %shift_left3A_519 : i32 to vector<16xi32>
          %shift_left3A_521 = arith.shli %gather3A_518, %shift_left3A_520 : vector<16xi32>
          %bitcast3A_522 = vector.bitcast %shift_left3A_521 : vector<16xi32> to vector<16xf32>
          %bitcast3A_523 = vector.bitcast %gather3A_518 : vector<16xi32> to vector<16xf32>
          %mul3A_524 = arith.mulf %mul3A_433, %bitcast3A_522 : vector<16xf32>
          %mul3A_525 = arith.mulf %mul3A_434, %bitcast3A_523 : vector<16xf32>
          %add3A_526 = arith.constant 1122 : i32
          %add3A_527 = vector.broadcast %add3A_526 : i32 to vector<16xi32>
          %add3A_528 = arith.addi %add3A_439, %add3A_527 : vector<16xi32>
          %gather3A_529 = tpu.vector_load_idx %arg5[%add3A_528] : memref<107824xi32, #tpu.memory_space<vmem>>[vector<16xi32>], vector<16xi32>,
          %shift_left3A_530 = arith.constant 16 : i32
          %shift_left3A_531 = vector.broadcast %shift_left3A_530 : i32 to vector<16xi32>
          %shift_left3A_532 = arith.shli %gather3A_529, %shift_left3A_531 : vector<16xi32>
          %bitcast3A_533 = vector.bitcast %shift_left3A_532 : vector<16xi32> to vector<16xf32>
          %bitcast3A_534 = vector.bitcast %gather3A_529 : vector<16xi32> to vector<16xf32>
          %mul3A_535 = arith.mulf %mul3A_435, %bitcast3A_533 : vector<16xf32>
          %mul3A_536 = arith.mulf %mul3A_436, %bitcast3A_534 : vector<16xf32>
          %add3A_537 = arith.addf %mul3A_502, %mul3A_503 : vector<16xf32>
          %add3A_538 = arith.addf %mul3A_513, %mul3A_514 : vector<16xf32>
          %add3A_539 = arith.addf %add3A_537, %add3A_538 : vector<16xf32>
          %add3A_540 = arith.addf %mul3A_524, %mul3A_525 : vector<16xf32>
          %add3A_541 = arith.addf %mul3A_535, %mul3A_536 : vector<16xf32>
          %add3A_542 = arith.addf %add3A_540, %add3A_541 : vector<16xf32>
          %add3A_543 = arith.addf %add3A_539, %add3A_542 : vector<16xf32>
          %swap3A_544 = arith.index_cast %scan3A_291 : i32 to index
          %swap3A_545 = arith.index_cast %mul3A_415 : i32 to index
          %swap3A_546 = tpu.vector_load %arg16[%swap3A_544, %swap3A_545] {strides = array<i32>} : memref<2x512xf32, #tpu.memory_space<vmem>>, vector<16xf32>,
          tpu.vector_store %arg16[%swap3A_544, %swap3A_545], %add3A_543 {strides = array<i32>} : memref<2x512xf32, #tpu.memory_space<vmem>>, vector<16xf32>,
          %add3A_547 = arith.constant 0 : i32
          %add3A_548 = vector.broadcast %add3A_547 : i32 to vector<16xi32>
          %add3A_549 = arith.addi %add3A_442, %add3A_548 : vector<16xi32>
          %gather3A_550 = tpu.vector_load_idx %arg5[%add3A_549] : memref<107824xi32, #tpu.memory_space<vmem>>[vector<16xi32>], vector<16xi32>,
          %shift_left3A_551 = arith.constant 16 : i32
          %shift_left3A_552 = vector.broadcast %shift_left3A_551 : i32 to vector<16xi32>
          %shift_left3A_553 = arith.shli %gather3A_550, %shift_left3A_552 : vector<16xi32>
          %bitcast3A_554 = vector.bitcast %shift_left3A_553 : vector<16xi32> to vector<16xf32>
          %bitcast3A_555 = vector.bitcast %gather3A_550 : vector<16xi32> to vector<16xf32>
          %mul3A_556 = arith.mulf %mul3A_429, %bitcast3A_554 : vector<16xf32>
          %mul3A_557 = arith.mulf %mul3A_430, %bitcast3A_555 : vector<16xf32>
          %add3A_558 = arith.constant 33 : i32
          %add3A_559 = vector.broadcast %add3A_558 : i32 to vector<16xi32>
          %add3A_560 = arith.addi %add3A_442, %add3A_559 : vector<16xi32>
          %gather3A_561 = tpu.vector_load_idx %arg5[%add3A_560] : memref<107824xi32, #tpu.memory_space<vmem>>[vector<16xi32>], vector<16xi32>,
          %shift_left3A_562 = arith.constant 16 : i32
          %shift_left3A_563 = vector.broadcast %shift_left3A_562 : i32 to vector<16xi32>
          %shift_left3A_564 = arith.shli %gather3A_561, %shift_left3A_563 : vector<16xi32>
          %bitcast3A_565 = vector.bitcast %shift_left3A_564 : vector<16xi32> to vector<16xf32>
          %bitcast3A_566 = vector.bitcast %gather3A_561 : vector<16xi32> to vector<16xf32>
          %mul3A_567 = arith.mulf %mul3A_431, %bitcast3A_565 : vector<16xf32>
          %mul3A_568 = arith.mulf %mul3A_432, %bitcast3A_566 : vector<16xf32>
          %add3A_569 = arith.constant 1089 : i32
          %add3A_570 = vector.broadcast %add3A_569 : i32 to vector<16xi32>
          %add3A_571 = arith.addi %add3A_442, %add3A_570 : vector<16xi32>
          %gather3A_572 = tpu.vector_load_idx %arg5[%add3A_571] : memref<107824xi32, #tpu.memory_space<vmem>>[vector<16xi32>], vector<16xi32>,
          %shift_left3A_573 = arith.constant 16 : i32
          %shift_left3A_574 = vector.broadcast %shift_left3A_573 : i32 to vector<16xi32>
          %shift_left3A_575 = arith.shli %gather3A_572, %shift_left3A_574 : vector<16xi32>
          %bitcast3A_576 = vector.bitcast %shift_left3A_575 : vector<16xi32> to vector<16xf32>
          %bitcast3A_577 = vector.bitcast %gather3A_572 : vector<16xi32> to vector<16xf32>
          %mul3A_578 = arith.mulf %mul3A_433, %bitcast3A_576 : vector<16xf32>
          %mul3A_579 = arith.mulf %mul3A_434, %bitcast3A_577 : vector<16xf32>
          %add3A_580 = arith.constant 1122 : i32
          %add3A_581 = vector.broadcast %add3A_580 : i32 to vector<16xi32>
          %add3A_582 = arith.addi %add3A_442, %add3A_581 : vector<16xi32>
          %gather3A_583 = tpu.vector_load_idx %arg5[%add3A_582] : memref<107824xi32, #tpu.memory_space<vmem>>[vector<16xi32>], vector<16xi32>,
          %shift_left3A_584 = arith.constant 16 : i32
          %shift_left3A_585 = vector.broadcast %shift_left3A_584 : i32 to vector<16xi32>
          %shift_left3A_586 = arith.shli %gather3A_583, %shift_left3A_585 : vector<16xi32>
          %bitcast3A_587 = vector.bitcast %shift_left3A_586 : vector<16xi32> to vector<16xf32>
          %bitcast3A_588 = vector.bitcast %gather3A_583 : vector<16xi32> to vector<16xf32>
          %mul3A_589 = arith.mulf %mul3A_435, %bitcast3A_587 : vector<16xf32>
          %mul3A_590 = arith.mulf %mul3A_436, %bitcast3A_588 : vector<16xf32>
          %add3A_591 = arith.addf %mul3A_556, %mul3A_557 : vector<16xf32>
          %add3A_592 = arith.addf %mul3A_567, %mul3A_568 : vector<16xf32>
          %add3A_593 = arith.addf %add3A_591, %add3A_592 : vector<16xf32>
          %add3A_594 = arith.addf %mul3A_578, %mul3A_579 : vector<16xf32>
          %add3A_595 = arith.addf %mul3A_589, %mul3A_590 : vector<16xf32>
          %add3A_596 = arith.addf %add3A_594, %add3A_595 : vector<16xf32>
          %add3A_597 = arith.addf %add3A_593, %add3A_596 : vector<16xf32>
          %swap3A_598 = arith.index_cast %scan3A_291 : i32 to index
          %swap3A_599 = arith.index_cast %mul3A_415 : i32 to index
          %swap3A_600 = tpu.vector_load %arg17[%swap3A_598, %swap3A_599] {strides = array<i32>} : memref<2x512xf32, #tpu.memory_space<vmem>>, vector<16xf32>,
          tpu.vector_store %arg17[%swap3A_598, %swap3A_599], %add3A_597 {strides = array<i32>} : memref<2x512xf32, #tpu.memory_space<vmem>>, vector<16xf32>,
          scf.yield %add3A_413, %sub3A_383, %sub3A_385, %sub3A_387 : vector<16xi32>, vector<16xf32>, vector<16xf32>, vector<16xf32>
        }
        %scan3A_348 = arith.constant 32 : i32
        %scan3A_349 = arith.constant 0 : i32
        scf.yield %scan3A_349 : i32
      }
      %scan3A_265 = arith.constant 2 : i32
      %mul3A_266 = arith.constant 2 : i32
      %mul3A_267 = arith.muli %add3A_223, %mul3A_266 : i32
      %add3A_268 = arith.addi %mul3A_32, %mul3A_267 : i32
      %dma_start3A_269 = arith.constant 0 : i32
      %dma_start3A_270 = arith.constant 0 : i32
      %dma_start3A_271 = tpu.memref_slice %arg4[%select_n3A, %dma_start3A_269, %add3A_268, %dma_start3A_270] : memref<8x3x512x512xf32, #tpu.memory_space<hbm>> -> memref<1x1x2x512xf32, #tpu.memory_space<hbm>>
      %dma_start3A_272 = tpu.memref_squeeze %dma_start3A_271 : memref<1x1x2x512xf32, #tpu.memory_space<hbm>> -> memref<2x512xf32, #tpu.memory_space<hbm>>
      %dma_start3A_273 = arith.constant 0 : i32
      %dma_start3A_274 = tpu.memref_slice %arg4[%select_n3A, %dma_start3A_269, %add3A_268, %dma_start3A_273] : memref<8x3x512x512xf32, #tpu.memory_space<hbm>> -> memref<1x1x2x512xf32, #tpu.memory_space<hbm>>
      %dma_start3A_275 = tpu.memref_squeeze %dma_start3A_274 : memref<1x1x2x512xf32, #tpu.memory_space<hbm>> -> memref<2x512xf32, #tpu.memory_space<hbm>>
      tpu.enqueue_dma source(%arg15 : memref<2x512xf32, #tpu.memory_space<vmem>>) target(%dma_start3A_275 : memref<2x512xf32, #tpu.memory_space<hbm>>) target_semaphore(%arg21 : memref<!tpu.dma_semaphore, #tpu.memory_space<semaphore_mem>>)
      %dma_start3A_276 = arith.constant 1 : i32
      %dma_start3A_277 = arith.constant 0 : i32
      %dma_start3A_278 = tpu.memref_slice %arg4[%select_n3A, %dma_start3A_276, %add3A_268, %dma_start3A_277] : memref<8x3x512x512xf32, #tpu.memory_space<hbm>> -> memref<1x1x2x512xf32, #tpu.memory_space<hbm>>
      %dma_start3A_279 = tpu.memref_squeeze %dma_start3A_278 : memref<1x1x2x512xf32, #tpu.memory_space<hbm>> -> memref<2x512xf32, #tpu.memory_space<hbm>>
      %dma_start3A_280 = arith.constant 0 : i32
      %dma_start3A_281 = tpu.memref_slice %arg4[%select_n3A, %dma_start3A_276, %add3A_268, %dma_start3A_280] : memref<8x3x512x512xf32, #tpu.memory_space<hbm>> -> memref<1x1x2x512xf32, #tpu.memory_space<hbm>>
      %dma_start3A_282 = tpu.memref_squeeze %dma_start3A_281 : memref<1x1x2x512xf32, #tpu.memory_space<hbm>> -> memref<2x512xf32, #tpu.memory_space<hbm>>
      tpu.enqueue_dma source(%arg16 : memref<2x512xf32, #tpu.memory_space<vmem>>) target(%dma_start3A_282 : memref<2x512xf32, #tpu.memory_space<hbm>>) target_semaphore(%arg21 : memref<!tpu.dma_semaphore, #tpu.memory_space<semaphore_mem>>)
      %dma_start3A_283 = arith.constant 2 : i32
      %dma_start3A_284 = arith.constant 0 : i32
      %dma_start3A_285 = tpu.memref_slice %arg4[%select_n3A, %dma_start3A_283, %add3A_268, %dma_start3A_284] : memref<8x3x512x512xf32, #tpu.memory_space<hbm>> -> memref<1x1x2x512xf32, #tpu.memory_space<hbm>>
      %dma_start3A_286 = tpu.memref_squeeze %dma_start3A_285 : memref<1x1x2x512xf32, #tpu.memory_space<hbm>> -> memref<2x512xf32, #tpu.memory_space<hbm>>
      %dma_start3A_287 = arith.constant 0 : i32
      %dma_start3A_288 = tpu.memref_slice %arg4[%select_n3A, %dma_start3A_283, %add3A_268, %dma_start3A_287] : memref<8x3x512x512xf32, #tpu.memory_space<hbm>> -> memref<1x1x2x512xf32, #tpu.memory_space<hbm>>
      %dma_start3A_289 = tpu.memref_squeeze %dma_start3A_288 : memref<1x1x2x512xf32, #tpu.memory_space<hbm>> -> memref<2x512xf32, #tpu.memory_space<hbm>>
      tpu.enqueue_dma source(%arg17 : memref<2x512xf32, #tpu.memory_space<vmem>>) target(%dma_start3A_289 : memref<2x512xf32, #tpu.memory_space<hbm>>) target_semaphore(%arg21 : memref<!tpu.dma_semaphore, #tpu.memory_space<semaphore_mem>>)
      %scan3A_290 = arith.constant 0 : i32
      scf.yield %scan3A_290 : i32
    }
    %scan3A_60 = arith.constant 32 : i32
    %dma_wait3A = arith.constant 0 : i32
    %dma_wait3A_61 = arith.constant 0 : i32
    %dma_wait3A_62 = arith.constant 0 : i32
    %dma_wait3A_63 = arith.constant 0 : i32
    %dma_wait3A_64 = tpu.memref_slice %arg4[%dma_wait3A, %dma_wait3A_61, %dma_wait3A_62, %dma_wait3A_63] : memref<8x3x512x512xf32, #tpu.memory_space<hbm>> -> memref<1x1x2x512xf32, #tpu.memory_space<hbm>>
    %dma_wait3A_65 = tpu.memref_squeeze %dma_wait3A_64 : memref<1x1x2x512xf32, #tpu.memory_space<hbm>> -> memref<2x512xf32, #tpu.memory_space<hbm>>
    %dma_wait3A_66 = arith.constant 0 : i32
    %dma_wait3A_67 = arith.constant 0 : i32
    %dma_wait3A_68 = tpu.memref_slice %arg4[%dma_wait3A, %dma_wait3A_61, %dma_wait3A_66, %dma_wait3A_67] : memref<8x3x512x512xf32, #tpu.memory_space<hbm>> -> memref<1x1x2x512xf32, #tpu.memory_space<hbm>>
    %dma_wait3A_69 = tpu.memref_squeeze %dma_wait3A_68 : memref<1x1x2x512xf32, #tpu.memory_space<hbm>> -> memref<2x512xf32, #tpu.memory_space<hbm>>
    tpu.wait_dma2 semaphore(%arg20 : memref<!tpu.dma_semaphore, #tpu.memory_space<semaphore_mem>>) src(%arg12 : memref<2x512xf32, #tpu.memory_space<vmem>>) dst(%dma_wait3A_69 : memref<2x512xf32, #tpu.memory_space<hbm>>)
    %dma_wait3A_70 = arith.constant 0 : i32
    %dma_wait3A_71 = arith.constant 0 : i32
    %dma_wait3A_72 = arith.constant 0 : i32
    %dma_wait3A_73 = arith.constant 0 : i32
    %dma_wait3A_74 = tpu.memref_slice %arg4[%dma_wait3A_70, %dma_wait3A_71, %dma_wait3A_72, %dma_wait3A_73] : memref<8x3x512x512xf32, #tpu.memory_space<hbm>> -> memref<1x1x2x512xf32, #tpu.memory_space<hbm>>
    %dma_wait3A_75 = tpu.memref_squeeze %dma_wait3A_74 : memref<1x1x2x512xf32, #tpu.memory_space<hbm>> -> memref<2x512xf32, #tpu.memory_space<hbm>>
    %dma_wait3A_76 = arith.constant 0 : i32
    %dma_wait3A_77 = arith.constant 0 : i32
    %dma_wait3A_78 = tpu.memref_slice %arg4[%dma_wait3A_70, %dma_wait3A_71, %dma_wait3A_76, %dma_wait3A_77] : memref<8x3x512x512xf32, #tpu.memory_space<hbm>> -> memref<1x1x2x512xf32, #tpu.memory_space<hbm>>
    %dma_wait3A_79 = tpu.memref_squeeze %dma_wait3A_78 : memref<1x1x2x512xf32, #tpu.memory_space<hbm>> -> memref<2x512xf32, #tpu.memory_space<hbm>>
    tpu.wait_dma2 semaphore(%arg20 : memref<!tpu.dma_semaphore, #tpu.memory_space<semaphore_mem>>) src(%arg13 : memref<2x512xf32, #tpu.memory_space<vmem>>) dst(%dma_wait3A_79 : memref<2x512xf32, #tpu.memory_space<hbm>>)
    %dma_wait3A_80 = arith.constant 0 : i32
    %dma_wait3A_81 = arith.constant 0 : i32
    %dma_wait3A_82 = arith.constant 0 : i32
    %dma_wait3A_83 = arith.constant 0 : i32
    %dma_wait3A_84 = tpu.memref_slice %arg4[%dma_wait3A_80, %dma_wait3A_81, %dma_wait3A_82, %dma_wait3A_83] : memref<8x3x512x512xf32, #tpu.memory_space<hbm>> -> memref<1x1x2x512xf32, #tpu.memory_space<hbm>>
    %dma_wait3A_85 = tpu.memref_squeeze %dma_wait3A_84 : memref<1x1x2x512xf32, #tpu.memory_space<hbm>> -> memref<2x512xf32, #tpu.memory_space<hbm>>
    %dma_wait3A_86 = arith.constant 0 : i32
    %dma_wait3A_87 = arith.constant 0 : i32
    %dma_wait3A_88 = tpu.memref_slice %arg4[%dma_wait3A_80, %dma_wait3A_81, %dma_wait3A_86, %dma_wait3A_87] : memref<8x3x512x512xf32, #tpu.memory_space<hbm>> -> memref<1x1x2x512xf32, #tpu.memory_space<hbm>>
    %dma_wait3A_89 = tpu.memref_squeeze %dma_wait3A_88 : memref<1x1x2x512xf32, #tpu.memory_space<hbm>> -> memref<2x512xf32, #tpu.memory_space<hbm>>
    tpu.wait_dma2 semaphore(%arg20 : memref<!tpu.dma_semaphore, #tpu.memory_space<semaphore_mem>>) src(%arg14 : memref<2x512xf32, #tpu.memory_space<vmem>>) dst(%dma_wait3A_89 : memref<2x512xf32, #tpu.memory_space<hbm>>)
    %dma_wait3A_90 = arith.constant 0 : i32
    %dma_wait3A_91 = arith.constant 0 : i32
    %dma_wait3A_92 = arith.constant 0 : i32
    %dma_wait3A_93 = arith.constant 0 : i32
    %dma_wait3A_94 = tpu.memref_slice %arg4[%dma_wait3A_90, %dma_wait3A_91, %dma_wait3A_92, %dma_wait3A_93] : memref<8x3x512x512xf32, #tpu.memory_space<hbm>> -> memref<1x1x2x512xf32, #tpu.memory_space<hbm>>
    %dma_wait3A_95 = tpu.memref_squeeze %dma_wait3A_94 : memref<1x1x2x512xf32, #tpu.memory_space<hbm>> -> memref<2x512xf32, #tpu.memory_space<hbm>>
    %dma_wait3A_96 = arith.constant 0 : i32
    %dma_wait3A_97 = arith.constant 0 : i32
    %dma_wait3A_98 = tpu.memref_slice %arg4[%dma_wait3A_90, %dma_wait3A_91, %dma_wait3A_96, %dma_wait3A_97] : memref<8x3x512x512xf32, #tpu.memory_space<hbm>> -> memref<1x1x2x512xf32, #tpu.memory_space<hbm>>
    %dma_wait3A_99 = tpu.memref_squeeze %dma_wait3A_98 : memref<1x1x2x512xf32, #tpu.memory_space<hbm>> -> memref<2x512xf32, #tpu.memory_space<hbm>>
    tpu.wait_dma2 semaphore(%arg21 : memref<!tpu.dma_semaphore, #tpu.memory_space<semaphore_mem>>) src(%arg15 : memref<2x512xf32, #tpu.memory_space<vmem>>) dst(%dma_wait3A_99 : memref<2x512xf32, #tpu.memory_space<hbm>>)
    %dma_wait3A_100 = arith.constant 0 : i32
    %dma_wait3A_101 = arith.constant 0 : i32
    %dma_wait3A_102 = arith.constant 0 : i32
    %dma_wait3A_103 = arith.constant 0 : i32
    %dma_wait3A_104 = tpu.memref_slice %arg4[%dma_wait3A_100, %dma_wait3A_101, %dma_wait3A_102, %dma_wait3A_103] : memref<8x3x512x512xf32, #tpu.memory_space<hbm>> -> memref<1x1x2x512xf32, #tpu.memory_space<hbm>>
    %dma_wait3A_105 = tpu.memref_squeeze %dma_wait3A_104 : memref<1x1x2x512xf32, #tpu.memory_space<hbm>> -> memref<2x512xf32, #tpu.memory_space<hbm>>
    %dma_wait3A_106 = arith.constant 0 : i32
    %dma_wait3A_107 = arith.constant 0 : i32
    %dma_wait3A_108 = tpu.memref_slice %arg4[%dma_wait3A_100, %dma_wait3A_101, %dma_wait3A_106, %dma_wait3A_107] : memref<8x3x512x512xf32, #tpu.memory_space<hbm>> -> memref<1x1x2x512xf32, #tpu.memory_space<hbm>>
    %dma_wait3A_109 = tpu.memref_squeeze %dma_wait3A_108 : memref<1x1x2x512xf32, #tpu.memory_space<hbm>> -> memref<2x512xf32, #tpu.memory_space<hbm>>
    tpu.wait_dma2 semaphore(%arg21 : memref<!tpu.dma_semaphore, #tpu.memory_space<semaphore_mem>>) src(%arg16 : memref<2x512xf32, #tpu.memory_space<vmem>>) dst(%dma_wait3A_109 : memref<2x512xf32, #tpu.memory_space<hbm>>)
    %dma_wait3A_110 = arith.constant 0 : i32
    %dma_wait3A_111 = arith.constant 0 : i32
    %dma_wait3A_112 = arith.constant 0 : i32
    %dma_wait3A_113 = arith.constant 0 : i32
    %dma_wait3A_114 = tpu.memref_slice %arg4[%dma_wait3A_110, %dma_wait3A_111, %dma_wait3A_112, %dma_wait3A_113] : memref<8x3x512x512xf32, #tpu.memory_space<hbm>> -> memref<1x1x2x512xf32, #tpu.memory_space<hbm>>
    %dma_wait3A_115 = tpu.memref_squeeze %dma_wait3A_114 : memref<1x1x2x512xf32, #tpu.memory_space<hbm>> -> memref<2x512xf32, #tpu.memory_space<hbm>>
    %dma_wait3A_116 = arith.constant 0 : i32
    %dma_wait3A_117 = arith.constant 0 : i32
    %dma_wait3A_118 = tpu.memref_slice %arg4[%dma_wait3A_110, %dma_wait3A_111, %dma_wait3A_116, %dma_wait3A_117] : memref<8x3x512x512xf32, #tpu.memory_space<hbm>> -> memref<1x1x2x512xf32, #tpu.memory_space<hbm>>
    %dma_wait3A_119 = tpu.memref_squeeze %dma_wait3A_118 : memref<1x1x2x512xf32, #tpu.memory_space<hbm>> -> memref<2x512xf32, #tpu.memory_space<hbm>>
    tpu.wait_dma2 semaphore(%arg21 : memref<!tpu.dma_semaphore, #tpu.memory_space<semaphore_mem>>) src(%arg17 : memref<2x512xf32, #tpu.memory_space<vmem>>) dst(%dma_wait3A_119 : memref<2x512xf32, #tpu.memory_space<hbm>>)
    return
  }
}

</mosaic_0001>

<sc_bundles>
// kernel: kernel.3.cloned.1.call-start
scs
__scs_entry_jumppad:
0x0: {  	(pc) =	sbr.rel $0x88, $3  }
0x1: {  	(tag) =	ssettag $0x0;
	lr =	simm.s32 $0x1  }
0x2: {  	[smem:$0x3F9F] =	sst lr;
	_ =	strace $0xD0000000  }
0x3: {  	_ = 	snop  }
0x4: {  	_ = 	snop  }
0x5: {  	_ = 	snop  }
0x6: {  	_ = 	snop  }
0x7: {  	_ = 	snop  }
__scs_overlays_trampoline_lowered:
0x8: {  	[smem:$0x3FAE] =	sst s0  }
0x9: {  	[smem:$0x3FAF] =	sst s1  }
0xa: {  	[smem:$0x3FB0] =	sst s2  }
0xb: {  	[smem:$0x3FB1] =	sst s3  }
0xc: {  	[smem:$0x3FB2] =	sst s4  }
0xd: {  	[smem:$0x3FB3] =	sst s5  }
0xe: {  	[smem:$0x3FB4] =	sst s6  }
0xf: {  	[smem:$0x3FB5] =	sst s7  }
0x10: {  	[smem:$0x3FB6] =	sst s8  }
0x11: {  	[smem:$0x3FB7] =	sst s9;
	s0 =	simm.s32 @!p0 $0x0  }
0x12: {  	s1 =	sld [smem:$0x3F9D];
	s0 =	simm.s32 @p0 $0x1  }
0x13: {  	[smem:$0x3FB8] =	sst s0;
	s0 =	simm.s32 @!p1 $0x0  }
0x14: {  	s2 =	sld [smem:$0x3F9C];
	s0 =	simm.s32 @p1 $0x1  }
0x15: {  	[smem:$0x3FB9] =	sst s0;
	s0 =	simm.s32 @!p2 $0x0  }
0x16: {  	s3 =	sld [smem:$0x3FDB];
	s0 =	simm.s32 @p2 $0x1  }
0x17: {  	s4 =	simm.s32 $0x1BF5;
	[smem:$0x3FBB] =	sst s0  }
0x18: {  	s0 =	sld [smem:$0x3F9E];
	_ =	swait.ge [sflag:s4], $0x0  }
0x19: {  	s7 =	sld [smem:$0x3F9F]  }
0x1a: {  	s8 =	sadd.s32 $0xFFFFE003, lr  }
0x1b: {  	s9 =	sadd.s32 $0xFFFFFEF7, lr;
	s5 =	simm.s32 $0xFFFFFFFF;
	p2 =	slt.u32 s8, $0xFFFFF086  }
0x1c: {  	p1 =	slt.u32 s9, $0xF7A;
	s5 =	simm.s32 @!p2 $0x0  }
0x1d: {  	s5 =	simm.s32 @p1 $0x1;
	p0 =	seq.s32 s7, s2  }
0x1e: {  	s7 =	smul.u32 @!p0 $0xF7A, s2;
	p2 =	seq.s32 @!p0 s5, $0x0  }
0x1f: {  	s9 =	smul.u32 $0xF7A, s1;
	s8 =	simm.s32 @!p0 $0x1BF5;
	p2 =	por !p2, p0  }
0x20: {  	[sflag:s8] =	ssyncset.s32 @!p0 $0xFFFFF086;
	s6 =	sadd.s32 @!p0 s3, s7;
	s7 =	simm.s32 @!p0 $0x108  }
0x21: {  	s3 =	sadd.s32 s3, s9;
	s6 =	sadd.s32 @!p0 $0x88, s6;
	s7 =	simm.s32 @p2 $0x1082  }
0x22: {  	[simem:s7], [sflag:s8] =	dma.local @!p0 [hbm:s6], $0xF7A  }
0x23: {  	s9 =	sor.u32 $0xD0000000, s2;
	s6 =	simm.s32 $0x108;
	_ =	swait.ge @!p0 [sflag:s8], $0x0  }
0x24: {  	s3 =	sadd.s32 $0x88, s3;
	s6 =	simm.s32 @!p1 $0x1082;
	[sflag:s4] =	ssyncset.s32 $0xFFFFF086  }
0x25: {  	[simem:s6], [sflag:s4] =	dma.local [hbm:s3], $0xF7A  }
0x26: {  	[smem:$0x3F9F] =	sst s1;
	(tag) =	ssettag s2;
	_ =	strace s9  }
0x27: {  	s1 =	sld [smem:$0x3FAF]  }
0x28: {  	s2 =	sld [smem:$0x3FB0]  }
0x29: {  	s4 =	sld [smem:$0x3FB2]  }
0x2a: {  	p0 =	seq.s32 s5, $0x0;
	s5 =	sld [smem:$0x3FB3]  }
0x2b: {  	s6 =	sld [smem:$0x3FB4]  }
0x2c: {  	s7 =	sld [smem:$0x3FB5]  }
0x2d: {  	s3 =	simm.s32 $0x108;
	s8 =	sld [smem:$0x3FB6]  }
0x2e: {  	s3 =	simm.s32 @!p0 $0x1082;
	s9 =	sld [smem:$0x3FB7]  }
0x2f: {  	lr =	sadd.s32 s0, s3;
	s0 =	sld [smem:$0x3FAE]  }
0x30: {  	s3 =	sld [smem:$0x3FB1]  }
0x31: {  	[smem:$0x3FBA] =	sst s10  }
0x32: {  	s10 =	sld [smem:$0x3FB8];
	_ =	sdelay $0x3  }
0x33: {  	p0 =	seq.s32 s10, $0x1;
	s10 =	sld [smem:$0x3FBA];
	_ =	sdelay $0x3  }
0x34: {  	[smem:$0x3FBA] =	sst s10  }
0x35: {  	s10 =	sld [smem:$0x3FB9];
	_ =	sdelay $0x3  }
0x36: {  	p1 =	seq.s32 s10, $0x1;
	s10 =	sld [smem:$0x3FBA];
	_ =	sdelay $0x3  }
0x37: {  	[smem:$0x3FBA] =	sst s10  }
0x38: {  	s10 =	sld [smem:$0x3FBB]  }
0x39: {  	_ = 	snop;
	(pc) =	sbr.ind lr, $3  }
0x3a: {  	_ = 	snop  }
0x3b: {  	_ = 	snop  }
0x3c: {  	p2 =	seq.s32 s10, $0x1;
	s10 =	sld [smem:$0x3FBA]  }
0x3d: {  	_ =	shalt  }
0x3e: {  	_ =	shalt  }
0x3f: {  	_ =	shalt  }
0x40: {  	_ =	shalt  }
0x41: {  	_ =	shalt  }
0x42: {  	_ =	shalt  }
0x43: {  	_ =	shalt  }
0x44: {  	_ =	shalt  }
0x45: {  	_ =	shalt  }
0x46: {  	_ =	shalt  }
0x47: {  	_ =	shalt  }
0x48: {  	_ =	shalt  }
0x49: {  	_ =	shalt  }
0x4a: {  	_ =	shalt  }
0x4b: {  	_ =	shalt  }
0x4c: {  	_ =	shalt  }
0x4d: {  	_ =	shalt  }
0x4e: {  	_ =	shalt  }
0x4f: {  	_ =	shalt  }
0x50: {  	_ =	shalt  }
0x51: {  	_ =	shalt  }
0x52: {  	_ =	shalt  }
0x53: {  	_ =	shalt  }
0x54: {  	_ =	shalt  }
0x55: {  	_ =	shalt  }
0x56: {  	_ =	shalt  }
0x57: {  	_ =	shalt  }
0x58: {  	_ =	shalt  }
0x59: {  	_ =	shalt  }
0x5a: {  	_ =	shalt  }
0x5b: {  	_ =	shalt  }
0x5c: {  	_ =	shalt  }
0x5d: {  	_ =	shalt  }
0x5e: {  	_ =	shalt  }
0x5f: {  	_ =	shalt  }
0x60: {  	_ =	shalt  }
0x61: {  	_ =	shalt  }
0x62: {  	_ =	shalt  }
0x63: {  	_ =	shalt  }
0x64: {  	_ =	shalt  }
0x65: {  	_ =	shalt  }
0x66: {  	_ =	shalt  }
0x67: {  	_ =	shalt  }
0x68: {  	_ =	shalt  }
0x69: {  	_ =	shalt  }
0x6a: {  	_ =	shalt  }
0x6b: {  	_ =	shalt  }
0x6c: {  	_ =	shalt  }
0x6d: {  	_ =	shalt  }
0x6e: {  	_ =	shalt  }
0x6f: {  	_ =	shalt  }
0x70: {  	_ =	shalt  }
0x71: {  	_ =	shalt  }
0x72: {  	_ =	shalt  }
0x73: {  	_ =	shalt  }
0x74: {  	_ =	shalt  }
0x75: {  	_ =	shalt  }
0x76: {  	_ =	shalt  }
0x77: {  	_ =	shalt  }
0x78: {  	_ =	shalt  }
0x79: {  	_ =	shalt  }
0x7a: {  	_ =	shalt  }
0x7b: {  	_ =	shalt  }
0x7c: {  	_ =	shalt  }
0x7d: {  	_ =	shalt  }
0x7e: {  	_ =	shalt  }
0x7f: {  	_ =	shalt  }
0x80: {  	_ =	shalt  }
0x81: {  	_ =	shalt  }
0x82: {  	_ =	shalt  }
0x83: {  	_ =	shalt  }
0x84: {  	_ =	shalt  }
0x85: {  	_ =	shalt  }
0x86: {  	_ =	shalt  }
0x87: {  	_ =	shalt  }
.Lfunc_end0:
.L_simem_size_0:
called_computation_lowered:
.L_overlay_start_0:
0x88: {  	s2 =	sld [smem:$0x3FD9]  }
0x89: {  	s3 =	sld [smem:$0x3FFE];
	_ =	sdelay $0x1  }
0x8a: {  	s1 =	srdreg.scid  }
0x8b: {  	s0 =	sand.u32 $0x1, s1  }
0x8c: {  	s17 =	sshll.u32 s0, $0xA;
	s2 =	sadd.s32 s3, s2  }
0x8d: {  	s2 =	sadd.s32 s2, s17  }
0x8e: {  	[smem:$0x3FC6] =	sst s2  }
0x8f: {  	_ = 	snop  }
0x90: {  	s2 =	sld [smem:$0x3FC8]  }
0x91: {  	s18 =	sld [smem:$0x3FD0];
	(tm) =	ssettm $0x1  }
0x92: {  	s4 =	sld [smem:$0x3FFB];
	_ =	sdelay $0x3  }
0x93: {  	_ =	strace s4  }
0x94: {  	s4 =	sld [smem:$0x3FFC];
	_ =	sdelay $0x3  }
0x95: {  	_ =	strace s4  }
0x96: {  	s4 =	sld [smem:$0x3FFD];
	_ =	sdelay $0x3  }
0x97: {  	_ =	strace s4  }
0x98: {  	_ =	strace $0x8FFFFFFF  }
0x99: {  	s19 =	sld [smem:$0x3FDB];
	_ =	sdelay $0x1  }
0x9a: {  	s5 =	simm.s32 $_scs_section_size  }
0x9b: {  	s6 =	simm.s32 $_size__tile_overlayer_lowered;
	s7 =	simm.s32 $_tile_overlayer_lowered  }
0x9c: {  	s22 =	simm.s32 $0x1BFF;
	s21 =	sshll.u32 s7, $0x1;
	s4 =	sadd.s32 s5, s19  }
0x9d: {  	s8 =	simm.s32 $0x0;
	s20 =	sshll.u32 s6, $0x1;
	s6 =	sadd.s32 s21, s4  }
0x9e: {  	[timem:s8], [sflag:s22] =	dma.local [hbm:s6], s20  }
0x9f: {  	_ =	swait.ge [sflag:s22], s20  }
0xa0: {  	s5 =	ssub.s32 $0x0, s20;
	[sflag:s22] =	ssyncset.done $0x0  }
0xa1: {  	[sflag:s22] =	ssyncadd.s32 s5;
	_ =	sdelay $0x1  }
0xa2: {  	s23 =	simm.s32 $0x1B8B  }
0xa3: {  	_ =	swait.ge [sflag:s23], $0x1  }
0xa4: {  	[sflag:s23] =	ssyncset.done $0x0  }
0xa5: {  	s25 =	simm.s32 $0x1B8E;
	s24 =	sld [smem:$0x3FFE];
	[sflag:s23] =	ssyncadd.s32 $0xFFFFFFFF  }
0xa6: {  	s26 =	simm.s32 $execute0_lowered;
	[smem:$0x3FD2] =	sst s25  }
0xa7: {  	s6 =	sshll.u32 s26, $0x1;
	_ =	strace $0x80000046;
	[dreg:$0x1] =	wrdreg $0xFFFFFFFF  }
0xa8: {  	s28 =	simm.s32 $_size_execute0_lowered;
	s4 =	sadd.s32 s4, s6;
	[dreg:$0x0] =	wrdreg $0x0  }
0xa9: {  	s6 =	sshll.u32 s28, $0x1;
	[dreg:$0x2] =	wrdreg s4  }
0xaa: {  	[dreg:$0x3] =	wrdreg s6  }
0xab: {  	[dreg:$0x4] =	wrdreg $0xC0  }
0xac: {  	_ =	task [dreg:s8], $0x5FFFF  }
0xad: {  	[dreg:$0x1] =	wrdreg $0xFFFFFFFF  }
0xae: {  	[dreg:$0x0] =	wrdreg $0x60  }
0xaf: {  	[dreg:$0x2] =	wrdreg s24  }
0xb0: {  	[dreg:$0x3] =	wrdreg s2  }
0xb1: {  	[dreg:$0x4] =	wrdreg s18  }
0xb2: {  	[dreg:$0x5] =	wrdreg $0x9  }
0xb3: {  	_ =	task.clear_ibuf [dreg:s8], $0x6FFFF;
	_ =	strace $0x90000046  }
0xb4: {  	s29 =	simm.s32 $0x9;
	_ =	strace $0x80000048  }
0xb5: {  	_ =	swait.ge [sflag:s29], $0x1  }
0xb6: {  	[sflag:s29] =	ssyncadd.s32 $0xFFFFFFFF  }
0xb7: {  	_ =	strace $0x90000048  }
0xb8: {  	_ =	sfence  }
0xb9: {  	s30 =	sld [smem:$0x0];
	_ =	sdelay $0x2  }
0xba: {  	s31 =	sshll.u32 s1, $0xD;
	s1 =	sshrl.u32 s1, $0x2  }
0xbb: {  	s3 =	sand.u32 $0x4000, s31;
	s1 =	sadd.s32 s1, s30  }
0xbc: {  	s0 =	sor.u32 s3, s0;
	s1 =	sshll.u32 s1, $0x11  }
0xbd: {  	s0 =	sor.u32 s1, s0  }
0xbe: {  	s0 =	sadd.s32 $0x8F2B, s0  }
0xbf: {  	[sflag:s0] =	ssyncadd.remote.s32 $0x1  }
0xc0: {  	_ =	sfence.sel $0xFFFF  }
0xc1: {  	[dreg:$0x0] =	wrdreg $0xFFFFFFFF;
	(pc) =	sbr.abs _section_cstart, $3  }
0xc2: {  	[dreg:$0x1] =	wrdreg $0xFFFFFFFF  }
0xc3: {  	_ =	task.clear_ibuf [dreg:s8], $0x2FFFF;
	_ =	strace $0x9FFFFFFF  }
0xc4: {  	(tm) =	ssettm $0x7FFFFFFF  }
0xc5: {  	_ =	shalt  }
tec
execute0_lowered:
.L_overlay_start_1:
0x0: {  	(tag) =	ssettag $0x1  }
0x1: {  	s0 =	rddreg [dreg:$0x0]  }
0x2: {  	s1 =	rddreg [dreg:$0x1]  }
0x3: {  	s2 =	rddreg [dreg:$0x2];
	s4 =	simm.s32 $0x0  }
0x4: {  	s3 =	srdreg.scid;
	s7 =	stileid.u32;
	s16 =	simm.s32 $0x100  }
0x5: {  	s17 =	simm.s32 $0x400;
	s28 =	simm.s32 $0x1C580;
	s29 =	simm.s32 $0x2  }
0x6: {  	s30 =	simm.s32 $0x1C980;
	s31 =	simm.s32 $0x1CD80;
	[smem:$0x7FF] =	sst s4  }
0x7: {  	s3 =	sand.u32 $0x1, s3;
	s5 =	sshll.u32 s7, $0x1;
	s7 =	sshrl.u32 s7, $0x1  }
0x8: {  	s0 =	sadd.s32 $0x600, s0;
	s6 =	ssub.s32 $0x2, s3;
	s5 =	sand.u32 $0x2, s5  }
0x9: {  	s8 =	sshrl.u32 s6, $0x1;
	s3 =	sor.u32 s3, s5;
	s5 =	smul.u32 $0xC0000, s7  }
0xa: {  	_ =	strace $0x80000047;
	[dreg:$0x4] =	wrdreg s0;
	s23 =	ssub.s32 s6, s8  }
0xb: {  	s7 =	sshll.u32 s3, $0x7;
	s8 =	sshll.u32 s3, $0x10;
	s9 =	sadd.s32 $0x40000, s5  }
0xc: {  	s10 =	sadd.s32 $0x80000, s5;
	s3 =	sor.u32 s5, s8;
	s0 =	smax.u32 s23, $0x1  }
0xd: {  	s24 =	sor.u32 s9, s8;
	s11 =	sor.u32 s10, s8;
	s3 =	sshrl.u32 s3, $0x3  }
0xe: {  	[dreg:$0x8] =	wrdreg s0;
	s6 =	sshrl.u32 s24, $0x3;
	s3 =	sadd.s32 s1, s3  }
0xf: {  	s11 =	sshrl.u32 s11, $0x3;
	[dreg:$0x5] =	wrdreg s3;
	s25 =	sadd.s32 s1, s6  }
0x10: {  	s0 =	simm.s32 $0x1D180;
	s26 =	sadd.s32 s1, s11;
	[dreg:$0x6] =	wrdreg s25  }
0x11: {  	s24 =	simm.s32 $0x1;
	s11 =	simm.s32 $0x0;
	[dreg:$0x7] =	wrdreg s26  }
.LBB2_1:
0x12: {  	[dreg:$0x9] =	wrdreg s11  }
0x13: {  	s3 =	rddreg [dreg:$0x4];
	s20 =	simm.s32 $0x5  }
0x14: {  	[tilespmem:s4], [sflag:$0x5] =	stream.linear.gather [hbm4b:s3+s4], $0x1A580, $0x38;
	[tilespmem:$0x1D580] =	vst v63  }
0x15: {  	_ =	swait.ge [sflag:s20], $0x1A580  }
0x16: {  	[sflag:s20] =	ssyncset.done $0x0  }
0x17: {  	s6 =	simm.s32 $0x1A580;
	s21 =	rddreg [dreg:$0x5];
	[sflag:s20] =	ssyncadd.s32 $0xFFFE5A80  }
0x18: {  	[tilespmem:s6], [sflag:$0x1] =	stream.strided.gather [hbm4b:s21+s16], $0x400, s17, s16, $0x38;
	[tilespmem:$0x1D580] =	vst v63  }
0x19: {  	s23 =	simm.s32 $0x1A980;
	s22 =	rddreg [dreg:$0x6]  }
0x1a: {  	[tilespmem:s23], [sflag:$0x1] =	stream.strided.gather [hbm4b:s22+s16], $0x400, s17, s16, $0x38;
	[tilespmem:$0x1D580] =	vst v63  }
0x1b: {  	s26 =	simm.s32 $0x1AD80;
	s25 =	rddreg [dreg:$0x7];
	s20 =	simm.s32 $0x0  }
0x1c: {  	[tilespmem:s26], [sflag:$0x1] =	stream.strided.gather [hbm4b:s25+s16], $0x400, s17, s16, $0x38;
	[tilespmem:$0x1D580] =	vst v63  }
.LBB2_2:
0x1d: {  	s13 =	sshll.u32 s20, $0x2  }
0x1e: {  	s3 =	sadd.s32 s7, s13  }
0x1f: {  	s6 =	sshll.u32 s20, $0x9;
	s3 =	sshll.u32 s3, $0x9  }
0x20: {  	s14 =	sand.u32 $0x200, s6;
	s3 =	sand.u32 $0x3F000, s3  }
0x21: {  	s3 =	sor.u32 s3, s14  }
0x22: {  	s3 =	sor.u32 $0x100, s3  }
0x23: {  	s22 =	sor.u32 s5, s3  }
0x24: {  	s6 =	sshrl.u32 s22, $0x3  }
0x25: {  	s12 =	simm.s32 $0x1B180;
	s23 =	sor.u32 s9, s3;
	s11 =	sadd.s32 s1, s6  }
0x26: {  	[tilespmem:s12], [sflag:$0x2] =	stream.strided.gather [hbm4b:s11+s16], $0x400, s17, s16, $0x38;
	[tilespmem:$0x1D580] =	vst v63  }
0x27: {  	s3 =	sor.u32 s10, s3;
	s11 =	sshrl.u32 s23, $0x3  }
0x28: {  	s15 =	simm.s32 $0x1B580;
	s12 =	sshrl.u32 s3, $0x3;
	s25 =	sadd.s32 s1, s11  }
0x29: {  	[tilespmem:s15], [sflag:$0x2] =	stream.strided.gather [hbm4b:s25+s16], $0x400, s17, s16, $0x38;
	[tilespmem:$0x1D580] =	vst v63  }
0x2a: {  	s26 =	simm.s32 $0x1B980;
	s3 =	sadd.s32 s1, s12  }
0x2b: {  	[tilespmem:s26], [sflag:$0x2] =	stream.strided.gather [hbm4b:s3+s16], $0x400, s17, s16, $0x38;
	[tilespmem:$0x1D580] =	vst v63  }
0x2c: {  	_ =	swait.ge [sflag:s24], $0x400  }
0x2d: {  	[sflag:s24] =	ssyncset.done $0x0  }
0x2e: {  	[sflag:s24] =	ssyncadd.s32 $0xFFFFFC00  }
0x2f: {  	_ =	swait.ge [sflag:s24], $0x400  }
0x30: {  	[sflag:s24] =	ssyncset.done $0x0  }
0x31: {  	[sflag:s24] =	ssyncadd.s32 $0xFFFFFC00  }
0x32: {  	_ =	swait.ge [sflag:s24], $0x400  }
0x33: {  	p0 =	seq.s32 s20, $0x0;
	[sflag:s24] =	ssyncset.done $0x0  }
0x34: {  	s3 =	simm.s32 @!p0 $0x3;
	[sflag:s24] =	ssyncadd.s32 $0xFFFFFC00  }
0x35: {  	_ =	swait.ge @!p0 [sflag:s3], $0x400  }
0x36: {  	[sflag:s3] =	ssyncset.done @!p0 $0x0  }
0x37: {  	[sflag:s3] =	ssyncadd.s32 @!p0 $0xFFFFFC00  }
0x38: {  	_ =	swait.ge @!p0 [sflag:s3], $0x400  }
0x39: {  	[sflag:s3] =	ssyncset.done @!p0 $0x0  }
0x3a: {  	[sflag:s3] =	ssyncadd.s32 @!p0 $0xFFFFFC00  }
0x3b: {  	_ =	swait.ge @!p0 [sflag:s3], $0x400  }
0x3c: {  	p2 =	por $0x1, $0x1;
	[sflag:s3] =	ssyncset.done @!p0 $0x0  }
0x3d: {  	s15 =	simm.s32 $0x0;
	[sflag:s3] =	ssyncadd.s32 @!p0 $0xFFFFFC00;
	s3 =	simm.s32 $0x0  }
.LBB2_3:
0x3e: {  	v0 =	vld [tilespmem:s3+$0x1A980]  }
0x3f: {  	v1 =	vld [tilespmem:s3+$0x1AD80]  }
0x40: {  	v2 =	vld [tilespmem:s3+$0x1A580];
	_ =	sdelay $0x2  }
0x41: {  	v3 =	vmul.f32 $3.199996760e+01, v0  }
0x42: {  	v1 =	vmul.f32 $3.199996760e+01, v1  }
0x43: {  	v2 =	vmul.f32 $3.199996760e+01, v2;
	v0 =	vtrunc.f32 v3  }
0x44: {  	v4 =	vcvt.f32.s32 v0;
	v0 =	vtrunc.f32 v1  }
0x45: {  	v5 =	vtrunc.f32 v2;
	v6 =	vcvt.f32.s32 v0  }
0x46: {  	v0 =	vcvt.f32.s32 v5;
	vm0 =	vgt.s32 v4, $0x0  }
0x47: {  	v5 =	vnsel vm0, $0x0, v4;
	vm12 =	vgt.s32 v6, $0x0  }
0x48: {  	vm1 =	vgt.s32 v0, $0x0;
	v5 =	vmin.u32 v5, $0x1F;
	v7 =	vnsel vm12, $0x0, v6  }
0x49: {  	v8 =	vnsel vm1, $0x0, v0;
	v7 =	vmin.u32 v7, $0x1F;
	v5 =	vmul.u32 $0x21, v5  }
0x4a: {  	v8 =	vmin.u32 v8, $0x1F;
	v7 =	vmul.u32 $0x441, v7  }
0x4b: {  	v5 =	vadd.s32 v8, v5;
	v8 =	vcvt.s32.f32 v0  }
0x4c: {  	v4 =	vcvt.s32.f32 v4;
	v0 =	vadd.s32 v7, v5  }
0x4d: {  	v7 =	vsub.f32 v2, v8;
	v2 =	vcvt.s32.f32 v6;
	v6 =	vadd.s32 $0x21, v0  }
0x4e: {  	v3 =	vsub.f32 v3, v4;
	v4 =	vadd.s32 $0x462, v0  }
0x4f: {  	v5 =	vadd.s32 $0x441, v0  }
0x50: {  	v8 =	vsub.f32 v1, v2;
	v1 =	vsub.f32 $1.000000000e+00, v7  }
0x51: {  	s18 =	simm.s32 $0x1;
	v9 =	vsub.f32 $1.000000000e+00, v3;
	v16 =	vld.idx.msk [tilespmem:v0+s4+$0x0], $0xffff  }
0x52: {  	s19 =	smin.u32 s18, $0x1F;
	v10 =	vmul.f32 v3, v7;
	v3 =	vmul.f32 v3, v1;
	v14 =	vld.idx.msk [tilespmem:v6+s4+$0x0], $0xffff  }
0x53: {  	s21 =	sshll.u32 s19, $0x4;
	s19 =	sshll.u32 s19, $0x5;
	v11 =	vsub.f32 $1.000000000e+00, v8;
	v13 =	vmul.f32 v9, v1;
	v9 =	vmul.f32 v9, v7;
	v15 =	vld.idx.msk [tilespmem:v4+s4+$0x0], $0xffff  }
0x54: {  	s21 =	sand.u32 $0x70, s21;
	s19 =	sand.u32 $0x300, s19;
	v12 =	vld.idx.msk [tilespmem:v5+s4+$0x0], $0xffff;
	v5 =	vmul.f32 v8, v10;
	v1 =	vmul.f32 v8, v3  }
0x55: {  	s19 =	sor.u32 s19, s21;
	v2 =	vmul.f32 v11, v10;
	v4 =	vmul.f32 v13, v8  }
0x56: {  	s19 =	sor.u32 s3, s19;
	v6 =	vmul.f32 v9, v8;
	v8 =	vmul.f32 v11, v9  }
0x57: {  	v3 =	vmul.f32 v11, v3;
	v7 =	vmul.f32 v11, v13;
	v13 =	vld [tilespmem:s19+$0x1A980];
	v18 =	vshll.u32 v16, $0x10  }
0x58: {  	v17 =	vld [tilespmem:s19+$0x1AD80];
	v16 =	vmul.f32 v16, v8;
	v9 =	vmul.f32 v14, v2;
	v11 =	vshll.u32 v15, $0x10  }
0x59: {  	v20 =	vld [tilespmem:s19+$0x1A580];
	v10 =	vshll.u32 v14, $0x10;
	v14 =	vmul.f32 v12, v6;
	v19 =	vmul.f32 v11, v1  }
0x5a: {  	v11 =	vmul.f32 v18, v7;
	v18 =	vmul.f32 v10, v3;
	v10 =	vshll.u32 v12, $0x10  }
0x5b: {  	v22 =	vadd.s32 $0x8C82, v0;
	v15 =	vmul.f32 v15, v5;
	v21 =	vmul.f32 v10, v4  }
0x5c: {  	v12 =	vmul.f32 $3.199996760e+01, v13;
	v16 =	vadd.f32 v11, v16;
	v9 =	vadd.f32 v18, v9  }
0x5d: {  	v13 =	vmul.f32 $3.199996760e+01, v17;
	v15 =	vadd.f32 v19, v15;
	v18 =	vadd.f32 v21, v14  }
0x5e: {  	v10 =	vadd.s32 $0x90C3, v0;
	v19 =	vadd.s32 $0x8C61, v0;
	v14 =	vmul.f32 $3.199996760e+01, v20  }
0x5f: {  	v9 =	vadd.f32 v9, v16;
	v16 =	vtrunc.f32 v12;
	v15 =	vadd.f32 v15, v18  }
0x60: {  	s25 =	sand.u32 $0x70, s15;
	s26 =	sand.u32 $0x300, s15;
	v11 =	vadd.s32 $0x90A2, v0;
	v18 =	vcvt.f32.s32 v16;
	v16 =	vtrunc.f32 v13  }
0x61: {  	s19 =	sor.u32 s26, s25;
	v17 =	vtrunc.f32 v14;
	v20 =	vcvt.f32.s32 v16;
	v15 =	vadd.f32 v15, v9  }
0x62: {  	s22 =	sor.u32 s3, s19;
	v16 =	vcvt.f32.s32 v17;
	v9 =	vcvt.s32.f32 v18;
	vm13 =	vgt.s32 v18, $0x0  }
0x63: {  	v17 =	vcvt.s32.f32 v20;
	v18 =	vnsel vm13, $0x0, v18;
	vm14 =	vgt.s32 v20, $0x0;
	[tilespmem:s22+$0x1BD80] =	vst v15  }
0x64: {  	vm15 =	vgt.s32 v16, $0x0;
	v18 =	vmin.u32 v18, $0x1F;
	v21 =	vnsel vm14, $0x0, v20;
	v15 =	vld.idx.msk [tilespmem:v19+s4+$0x0], $0xffff  }
0x65: {  	p1 =	por p2, p2;
	s21 =	simm.s32 $0x0;
	s19 =	simm.s32 $0x10;
	v20 =	vnsel vm15, $0x0, v16;
	v21 =	vmin.u32 v21, $0x1F;
	v19 =	vmul.u32 $0x21, v18;
	v18 =	vld.idx.msk [tilespmem:v22+s4+$0x0], $0xffff  }
.LBB2_4:
0x66: {  	p2 =	sne.s32 s19, $0x1F0;
	v16 =	vcvt.s32.f32 v16;
	v20 =	vmin.u32 v20, $0x1F;
	v21 =	vmul.u32 $0x441, v21;
	v11 =	vld.idx.msk [tilespmem:v11+s4+$0x0], $0xffff;
	s21 =	sadd.s32 $0x20, s21;
	s18 =	sadd.s32 $0x1, s18  }
0x67: {  	v12 =	vsub.f32 v12, v9;
	v13 =	vsub.f32 v13, v17;
	s23 =	smov.u32 s19;
	s19 =	sadd.s32 $0x10, s19;
	v9 =	vadd.s32 v20, v19;
	v10 =	vld.idx.msk [tilespmem:v10+s4+$0x0], $0xffff  }
0x68: {  	v14 =	vsub.f32 v14, v16;
	v9 =	vadd.s32 v21, v9;
	_ =	sdelay $0x1  }
0x69: {  	v16 =	vsub.f32 $1.000000000e+00, v12;
	v17 =	vshll.u32 v15, $0x10;
	v15 =	vmul.f32 v15, v8  }
0x6a: {  	v17 =	vmul.f32 v17, v7;
	v19 =	vshll.u32 v18, $0x10;
	v18 =	vmul.f32 v18, v2  }
0x6b: {  	v20 =	vadd.s32 $0x21, v9;
	v19 =	vmul.f32 v19, v3;
	v21 =	vshll.u32 v11, $0x10  }
0x6c: {  	v11 =	vmul.f32 v11, v6;
	v21 =	vmul.f32 v21, v4;
	v22 =	vshll.u32 v10, $0x10  }
0x6d: {  	v10 =	vmul.f32 v10, v5;
	v22 =	vmul.f32 v22, v1;
	v18 =	vadd.f32 v19, v18  }
0x6e: {  	v15 =	vadd.f32 v17, v15;
	v19 =	vsub.f32 $1.000000000e+00, v14  }
0x6f: {  	v17 =	vmul.f32 v12, v14;
	v11 =	vadd.f32 v21, v11;
	v10 =	vadd.f32 v22, v10  }
0x70: {  	v21 =	vadd.s32 $0x118C2, v0;
	v12 =	vmul.f32 v12, v19;
	v15 =	vadd.f32 v18, v15  }
0x71: {  	v18 =	vsub.f32 $1.000000000e+00, v13;
	v19 =	vmul.f32 v16, v19;
	v10 =	vadd.f32 v10, v11  }
0x72: {  	v22 =	vadd.s32 $0x118E3, v0;
	v11 =	vmul.f32 v13, v12  }
0x73: {  	v23 =	vmul.f32 v18, v17;
	v10 =	vadd.f32 v10, v15;
	v15 =	vadd.s32 $0x11D03, v0  }
0x74: {  	v24 =	vadd.s32 $0x11D24, v0;
	v0 =	vmov v9  }
0x75: {  	v12 =	vmul.f32 v18, v12;
	[tilespmem:s22+$0x1C180] =	vst v10  }
0x76: {  	v10 =	vmul.f32 v19, v13;
	v21 =	vld.idx.msk [tilespmem:v21+s4+$0x0], $0xffff  }
0x77: {  	v22 =	vld.idx.msk [tilespmem:v22+s4+$0x0], $0xffff  }
0x78: {  	v15 =	vld.idx.msk [tilespmem:v15+s4+$0x0], $0xffff  }
0x79: {  	v24 =	vld.idx.msk [tilespmem:v24+s4+$0x0], $0xffff;
	_ =	sdelay $0x1  }
0x7a: {  	s25 =	smin.u32 s18, $0x1F  }
0x7b: {  	s26 =	sshll.u32 s25, $0x4;
	s25 =	sshll.u32 s25, $0x5;
	v25 =	vshll.u32 v21, $0x10;
	v8 =	vmul.f32 v21, v8  }
0x7c: {  	s26 =	sand.u32 $0x70, s26;
	s25 =	sand.u32 $0x300, s25;
	v7 =	vmul.f32 v25, v7;
	v21 =	vshll.u32 v22, $0x10;
	v22 =	vmul.f32 v22, v2;
	v2 =	vmovc v23  }
0x7d: {  	s25 =	sor.u32 s25, s26;
	v21 =	vmul.f32 v21, v3;
	v23 =	vshll.u32 v15, $0x10;
	v6 =	vmul.f32 v15, v6;
	v3 =	vmovc v12  }
0x7e: {  	s25 =	sor.u32 s3, s25;
	v12 =	vmul.f32 v23, v4;
	v15 =	vshll.u32 v24, $0x10;
	v7 =	vadd.f32 v7, v8;
	v4 =	vmovc v10  }
0x7f: {  	v5 =	vmul.f32 v24, v5;
	v8 =	vmul.f32 v15, v1;
	v10 =	vadd.f32 v21, v22;
	v1 =	vmovc v11  }
0x80: {  	v6 =	vadd.f32 v12, v6  }
0x81: {  	v7 =	vadd.f32 v10, v7;
	v5 =	vadd.f32 v8, v5;
	_ =	sdelay $0x1  }
0x82: {  	v8 =	vadd.s32 $0x441, v9;
	v5 =	vadd.f32 v5, v6;
	_ =	sdelay $0x1  }
0x83: {  	v6 =	vadd.s32 $0x462, v9;
	v5 =	vadd.f32 v5, v7;
	_ =	sdelay $0x1  }
0x84: {  	[tilespmem:s22+$0x1C580] =	vst v5  }
0x85: {  	v10 =	vld.idx.msk [tilespmem:v8+s4+$0x0], $0xffff  }
0x86: {  	v11 =	vld.idx.msk [tilespmem:v20+s4+$0x0], $0xffff  }
0x87: {  	v12 =	vld.idx.msk [tilespmem:v6+s4+$0x0], $0xffff  }
0x88: {  	v15 =	vld.idx.msk [tilespmem:v9+s4+$0x0], $0xffff  }
0x89: {  	v8 =	vmul.f32 v16, v14  }
0x8a: {  	v5 =	vmul.f32 v13, v17  }
0x8b: {  	v7 =	vmul.f32 v18, v19;
	v6 =	vmul.f32 v8, v13  }
0x8c: {  	v8 =	vmul.f32 v18, v8;
	v13 =	vmul.f32 v11, v2  }
0x8d: {  	v16 =	vmul.f32 v10, v6;
	v11 =	vshll.u32 v11, $0x10;
	v17 =	vshll.u32 v12, $0x10;
	v14 =	vld [tilespmem:s25+$0x1A980]  }
0x8e: {  	v19 =	vshll.u32 v15, $0x10;
	v15 =	vmul.f32 v15, v8;
	v17 =	vmul.f32 v17, v1;
	v18 =	vld [tilespmem:s25+$0x1AD80]  }
0x8f: {  	v10 =	vshll.u32 v10, $0x10;
	v11 =	vmul.f32 v11, v3;
	v19 =	vmul.f32 v19, v7;
	v20 =	vld [tilespmem:s25+$0x1A580]  }
0x90: {  	v21 =	vmul.f32 v10, v4;
	v10 =	vadd.s32 $0x90C3, v9;
	v22 =	vmul.f32 v12, v5  }
0x91: {  	v15 =	vadd.f32 v19, v15;
	v19 =	vadd.f32 v11, v13;
	v11 =	vadd.s32 $0x90A2, v9  }
0x92: {  	v16 =	vadd.f32 v21, v16;
	v17 =	vadd.f32 v17, v22;
	v12 =	vmul.f32 $3.199996760e+01, v14  }
0x93: {  	v15 =	vadd.f32 v19, v15;
	v13 =	vmul.f32 $3.199996760e+01, v18;
	v18 =	vadd.s32 $0x8C61, v9  }
0x94: {  	v16 =	vadd.f32 v17, v16;
	v14 =	vmul.f32 $3.199996760e+01, v20;
	v19 =	vtrunc.f32 v12  }
0x95: {  	s22 =	sand.u32 $0x70, s23;
	s23 =	sand.u32 $0x300, s21;
	v22 =	vadd.s32 $0x8C82, v9;
	v19 =	vcvt.f32.s32 v19;
	v17 =	vtrunc.f32 v13  }
.Ltmp0:
0x96: {  	s22 =	sor.u32 s23, s22;
	v15 =	vadd.f32 v16, v15;
	v9 =	vtrunc.f32 v14;
	v20 =	vcvt.f32.s32 v17;
	(pc) =	sbr.rel @p2 .LBB2_4-.Ltmp0, $4  }
0x97: {  	s22 =	sor.u32 s3, s22;
	v16 =	vcvt.f32.s32 v9;
	v9 =	vcvt.s32.f32 v19;
	vm0 =	vgt.s32 v19, $0x0  }
0x98: {  	v17 =	vcvt.s32.f32 v20;
	v19 =	vnsel vm0, $0x0, v19;
	vm0 =	vgt.s32 v20, $0x0;
	[tilespmem:s22+$0x1BD80] =	vst v15  }
0x99: {  	vm1 =	vgt.s32 v16, $0x0;
	v19 =	vmin.u32 v19, $0x1F;
	v21 =	vnsel vm0, $0x0, v20;
	v15 =	vld.idx.msk [tilespmem:v18+s4+$0x0], $0xffff  }
0x9a: {  	v20 =	vnsel vm1, $0x0, v16;
	v21 =	vmin.u32 v21, $0x1F;
	v19 =	vmul.u32 $0x21, v19;
	v18 =	vld.idx.msk [tilespmem:v22+s4+$0x0], $0xffff  }
0x9b: {  	_ =	sdelay $0x3  }
0x9c: {  	v9 =	vld.idx.msk [tilespmem:v11+s4+$0x0], $0xffff  }
0x9d: {  	v10 =	vld.idx.msk [tilespmem:v10+s4+$0x0], $0xffff;
	_ =	sdelay $0x1  }
0x9e: {  	v45 =	vshll.u32 v15, $0x10  }
0x9f: {  	v12 =	vmul.f32 v15, v8;
	v11 =	vmul.f32 v45, v7;
	v13 =	vshll.u32 v18, $0x10  }
0xa0: {  	v14 =	vmul.f32 v18, v2;
	v13 =	vmul.f32 v13, v3;
	v46 =	vshll.u32 v9, $0x10  }
0xa1: {  	v9 =	vmul.f32 v9, v6;
	v16 =	vshll.u32 v10, $0x10;
	v10 =	vmul.f32 v10, v5  }
0xa2: {  	v15 =	vmul.f32 v46, v4;
	v16 =	vmul.f32 v16, v1  }
0xa3: {  	v11 =	vadd.f32 v11, v12;
	v13 =	vadd.f32 v13, v14  }
0xa4: {  	v9 =	vadd.f32 v15, v9;
	v10 =	vadd.f32 v16, v10;
	_ =	sdelay $0x1  }
0xa5: {  	v47 =	vadd.s32 $0x118C2, v0;
	v11 =	vadd.f32 v13, v11;
	v9 =	vadd.f32 v10, v9  }
0xa6: {  	v48 =	vadd.s32 $0x118E3, v0  }
0xa7: {  	v49 =	vadd.s32 $0x11D03, v0;
	v9 =	vadd.f32 v9, v11  }
0xa8: {  	v50 =	vadd.s32 $0x11D24, v0  }
0xa9: {  	[tilespmem:s22+$0x1C180] =	vst v9  }
0xaa: {  	v9 =	vld.idx.msk [tilespmem:v47+s4+$0x0], $0xffff  }
0xab: {  	v10 =	vld.idx.msk [tilespmem:v48+s4+$0x0], $0xffff  }
0xac: {  	v11 =	vld.idx.msk [tilespmem:v49+s4+$0x0], $0xffff  }
0xad: {  	v0 =	vld.idx.msk [tilespmem:v50+s4+$0x0], $0xffff;
	_ =	sdelay $0x2  }
0xae: {  	v12 =	vshll.u32 v9, $0x10  }
0xaf: {  	v51 =	vmul.f32 v9, v8;
	v53 =	vshll.u32 v10, $0x10;
	v54 =	vmul.f32 v10, v2  }
0xb0: {  	v57 =	vmul.f32 v11, v6;
	v59 =	vshll.u32 v0, $0x10;
	v0 =	vmul.f32 v0, v5  }
0xb1: {  	v56 =	vshll.u32 v11, $0x10;
	v52 =	vmul.f32 v12, v7;
	v55 =	vmul.f32 v53, v3  }
0xb2: {  	v58 =	vmul.f32 v56, v4;
	v60 =	vmul.f32 v59, v1  }
0xb3: {  	v61 =	vadd.f32 v52, v51;
	v2 =	vadd.f32 v55, v54  }
0xb4: {  	v62 =	vadd.f32 v58, v57;
	v0 =	vadd.f32 v60, v0;
	_ =	sdelay $0x1  }
.Ltmp1:
0xb5: {  	v63 =	vadd.f32 v2, v61;
	v0 =	vadd.f32 v0, v62;
	(pc) =	sbr.rel @p1 .LBB2_3-.Ltmp1, $3  }
0xb6: {  	_ = 	snop  }
0xb7: {  	v0 =	vadd.f32 v0, v63;
	_ =	sdelay $0x1  }
0xb8: {  	s3 =	simm.s32 $0x80;
	p2 =	por $0x0, $0x0;
	[tilespmem:s22+$0x1C580] =	vst v0  }
0xb9: {  	s3 =	sshll.u32 s20, $0xB  }
0xba: {  	s3 =	sand.u32 $0xF000, s3  }
0xbb: {  	s15 =	sor.u32 s5, s14;
	s3 =	sor.u32 s8, s3  }
0xbc: {  	s15 =	sor.u32 s3, s15  }
0xbd: {  	s15 =	sshrl.u32 s15, $0x3  }
0xbe: {  	s18 =	simm.s32 $0x1BD80;
	s23 =	sor.u32 s9, s14;
	s15 =	sadd.s32 s2, s15  }
0xbf: {  	[hbm4b:s15+s16] =	stream.strided.scatter [tilespmem:s18], [sflag:$0x3], $0x400, s17, s16, $0x38;
	[tilespmem:$0x1D580] =	vst v63  }
0xc0: {  	s26 =	sor.u32 s10, s14;
	s15 =	sor.u32 s3, s23  }
0xc1: {  	s3 =	sor.u32 s3, s26;
	s15 =	sshrl.u32 s15, $0x3  }
0xc2: {  	s25 =	simm.s32 $0x1C180;
	s3 =	sshrl.u32 s3, $0x3;
	s15 =	sadd.s32 s2, s15  }
0xc3: {  	[hbm4b:s15+s16] =	stream.strided.scatter [tilespmem:s25], [sflag:$0x3], $0x400, s17, s16, $0x38;
	[tilespmem:$0x1D580] =	vst v63  }
0xc4: {  	p1 =	seq.s32 s20, $0x1F;
	s3 =	sadd.s32 s2, s3  }
0xc5: {  	[hbm4b:s3+s16] =	stream.strided.scatter [tilespmem:s28], [sflag:$0x3], $0x400, s17, s16, $0x38;
	[tilespmem:$0x1D580] =	vst v63  }
0xc6: {  	s3 =	sadd.s32 @!p1 $0x4, s13  }
0xc7: {  	s13 =	sadd.s32 @!p1 s7, s3  }
0xc8: {  	s13 =	sshll.u32 @!p1 s13, $0x9  }
0xc9: {  	s3 =	sshll.u32 @!p1 s3, $0x7;
	s13 =	sand.u32 @!p1 $0x7F000, s13  }
0xca: {  	s3 =	sand.u32 @!p1 $0x200, s3;
	s14 =	sadd.s32 @!p1 s5, s13  }
0xcb: {  	s14 =	sor.u32 @!p1 s3, s14  }
0xcc: {  	s19 =	simm.s32 @!p1 $0x1A580;
	s14 =	sshrl.u32 @!p1 s14, $0x3  }
0xcd: {  	s18 =	simm.s32 @!p1 $0x400;
	s15 =	simm.s32 @!p1 $0x100;
	s14 =	sadd.s32 @!p1 s1, s14  }
0xce: {  	[tilespmem:s19], [sflag:$0x1] =	stream.strided.gather @!p1 [hbm4b:s14+s15], $0x400, s18, s15, $0x38;
	[tilespmem:$0x1D580] =	vst v63  }
0xcf: {  	s14 =	sadd.s32 @!p1 s9, s13  }
0xd0: {  	s13 =	sadd.s32 @!p1 s10, s13;
	s14 =	sor.u32 @!p1 s3, s14  }
0xd1: {  	s3 =	sor.u32 @!p1 s3, s13;
	s14 =	sshrl.u32 @!p1 s14, $0x3  }
0xd2: {  	s19 =	simm.s32 @!p1 $0x1A980;
	s3 =	sshrl.u32 @!p1 s3, $0x3;
	s14 =	sadd.s32 @!p1 s1, s14  }
0xd3: {  	[tilespmem:s19], [sflag:$0x1] =	stream.strided.gather @!p1 [hbm4b:s14+s15], $0x400, s18, s15, $0x38;
	[tilespmem:$0x1D580] =	vst v63  }
0xd4: {  	s13 =	simm.s32 @!p1 $0x1AD80;
	s3 =	sadd.s32 @!p1 s1, s3  }
0xd5: {  	[tilespmem:s13], [sflag:$0x1] =	stream.strided.gather @!p1 [hbm4b:s3+s15], $0x400, s18, s15, $0x38;
	[tilespmem:$0x1D580] =	vst v63  }
0xd6: {  	_ =	swait.ge [sflag:s29], $0x400  }
0xd7: {  	[sflag:s29] =	ssyncset.done $0x0  }
0xd8: {  	[sflag:s29] =	ssyncadd.s32 $0xFFFFFC00  }
0xd9: {  	_ =	swait.ge [sflag:s29], $0x400  }
0xda: {  	[sflag:s29] =	ssyncset.done $0x0  }
0xdb: {  	[sflag:s29] =	ssyncadd.s32 $0xFFFFFC00  }
0xdc: {  	_ =	swait.ge [sflag:s29], $0x400  }
0xdd: {  	[sflag:s29] =	ssyncset.done $0x0  }
0xde: {  	s3 =	simm.s32 @!p0 $0x4;
	[sflag:s29] =	ssyncadd.s32 $0xFFFFFC00  }
0xdf: {  	_ =	swait.ge @!p0 [sflag:s3], $0x400  }
0xe0: {  	[sflag:s3] =	ssyncset.done @!p0 $0x0  }
0xe1: {  	[sflag:s3] =	ssyncadd.s32 @!p0 $0xFFFFFC00  }
0xe2: {  	_ =	swait.ge @!p0 [sflag:s3], $0x400  }
0xe3: {  	[sflag:s3] =	ssyncset.done @!p0 $0x0  }
0xe4: {  	[sflag:s3] =	ssyncadd.s32 @!p0 $0xFFFFFC00  }
0xe5: {  	_ =	swait.ge @!p0 [sflag:s3], $0x400  }
0xe6: {  	s13 =	simm.s32 $0x0;
	[sflag:s3] =	ssyncset.done @!p0 $0x0  }
0xe7: {  	p1 =	por $0x1, $0x1;
	[sflag:s3] =	ssyncadd.s32 @!p0 $0xFFFFFC00;
	s3 =	simm.s32 $0x0  }
.LBB2_7:
0xe8: {  	v0 =	vld [tilespmem:s3+$0x1B580]  }
0xe9: {  	v1 =	vld [tilespmem:s3+$0x1B980]  }
0xea: {  	v2 =	vld [tilespmem:s3+$0x1B180];
	_ =	sdelay $0x2  }
0xeb: {  	v3 =	vmul.f32 $3.199996760e+01, v0  }
0xec: {  	v1 =	vmul.f32 $3.199996760e+01, v1  }
0xed: {  	v2 =	vmul.f32 $3.199996760e+01, v2;
	v0 =	vtrunc.f32 v3  }
0xee: {  	v4 =	vcvt.f32.s32 v0;
	v0 =	vtrunc.f32 v1  }
0xef: {  	v5 =	vtrunc.f32 v2;
	v6 =	vcvt.f32.s32 v0  }
0xf0: {  	v0 =	vcvt.f32.s32 v5;
	vm0 =	vgt.s32 v4, $0x0  }
0xf1: {  	v5 =	vnsel vm0, $0x0, v4;
	vm12 =	vgt.s32 v6, $0x0  }
0xf2: {  	vm1 =	vgt.s32 v0, $0x0;
	v5 =	vmin.u32 v5, $0x1F;
	v7 =	vnsel vm12, $0x0, v6  }
0xf3: {  	v8 =	vnsel vm1, $0x0, v0;
	v7 =	vmin.u32 v7, $0x1F;
	v5 =	vmul.u32 $0x21, v5  }
0xf4: {  	v8 =	vmin.u32 v8, $0x1F;
	v7 =	vmul.u32 $0x441, v7  }
0xf5: {  	v5 =	vadd.s32 v8, v5;
	v8 =	vcvt.s32.f32 v0  }
0xf6: {  	v4 =	vcvt.s32.f32 v4;
	v0 =	vadd.s32 v7, v5  }
0xf7: {  	v7 =	vsub.f32 v2, v8;
	v2 =	vcvt.s32.f32 v6;
	v6 =	vadd.s32 $0x21, v0  }
0xf8: {  	v3 =	vsub.f32 v3, v4;
	v4 =	vadd.s32 $0x462, v0  }
0xf9: {  	v5 =	vadd.s32 $0x441, v0  }
0xfa: {  	v8 =	vsub.f32 v1, v2;
	v1 =	vsub.f32 $1.000000000e+00, v7  }
0xfb: {  	s14 =	simm.s32 $0x1;
	v9 =	vsub.f32 $1.000000000e+00, v3;
	v16 =	vld.idx.msk [tilespmem:v0+s4+$0x0], $0xffff  }
0xfc: {  	s15 =	smin.u32 s14, $0x1F;
	v10 =	vmul.f32 v3, v7;
	v3 =	vmul.f32 v3, v1;
	v14 =	vld.idx.msk [tilespmem:v6+s4+$0x0], $0xffff  }
0xfd: {  	s18 =	sshll.u32 s15, $0x4;
	s15 =	sshll.u32 s15, $0x5;
	v11 =	vsub.f32 $1.000000000e+00, v8;
	v13 =	vmul.f32 v9, v1;
	v9 =	vmul.f32 v9, v7;
	v15 =	vld.idx.msk [tilespmem:v4+s4+$0x0], $0xffff  }
0xfe: {  	s18 =	sand.u32 $0x70, s18;
	s15 =	sand.u32 $0x300, s15;
	v12 =	vld.idx.msk [tilespmem:v5+s4+$0x0], $0xffff;
	v5 =	vmul.f32 v8, v10;
	v1 =	vmul.f32 v8, v3  }
0xff: {  	s15 =	sor.u32 s15, s18;
	v2 =	vmul.f32 v11, v10;
	v4 =	vmul.f32 v13, v8  }
0x100: {  	s15 =	sor.u32 s3, s15;
	v6 =	vmul.f32 v9, v8;
	v8 =	vmul.f32 v11, v9  }
0x101: {  	v3 =	vmul.f32 v11, v3;
	v7 =	vmul.f32 v11, v13;
	v13 =	vld [tilespmem:s15+$0x1B580];
	v18 =	vshll.u32 v16, $0x10  }
0x102: {  	v17 =	vld [tilespmem:s15+$0x1B980];
	v16 =	vmul.f32 v16, v8;
	v9 =	vmul.f32 v14, v2;
	v11 =	vshll.u32 v15, $0x10  }
0x103: {  	v20 =	vld [tilespmem:s15+$0x1B180];
	v10 =	vshll.u32 v14, $0x10;
	v14 =	vmul.f32 v12, v6;
	v19 =	vmul.f32 v11, v1  }
0x104: {  	v11 =	vmul.f32 v18, v7;
	v18 =	vmul.f32 v10, v3;
	v10 =	vshll.u32 v12, $0x10  }
0x105: {  	v22 =	vadd.s32 $0x8C82, v0;
	v15 =	vmul.f32 v15, v5;
	v21 =	vmul.f32 v10, v4  }
0x106: {  	v12 =	vmul.f32 $3.199996760e+01, v13;
	v16 =	vadd.f32 v11, v16;
	v9 =	vadd.f32 v18, v9  }
0x107: {  	v13 =	vmul.f32 $3.199996760e+01, v17;
	v15 =	vadd.f32 v19, v15;
	v18 =	vadd.f32 v21, v14  }
0x108: {  	v10 =	vadd.s32 $0x90C3, v0;
	v19 =	vadd.s32 $0x8C61, v0;
	v14 =	vmul.f32 $3.199996760e+01, v20  }
0x109: {  	v9 =	vadd.f32 v9, v16;
	v16 =	vtrunc.f32 v12;
	v15 =	vadd.f32 v15, v18  }
0x10a: {  	s25 =	sand.u32 $0x70, s13;
	s26 =	sand.u32 $0x300, s13;
	v11 =	vadd.s32 $0x90A2, v0;
	v18 =	vcvt.f32.s32 v16;
	v16 =	vtrunc.f32 v13  }
0x10b: {  	s15 =	sor.u32 s26, s25;
	v17 =	vtrunc.f32 v14;
	v20 =	vcvt.f32.s32 v16;
	v15 =	vadd.f32 v15, v9  }
0x10c: {  	s19 =	sor.u32 s3, s15;
	v16 =	vcvt.f32.s32 v17;
	v9 =	vcvt.s32.f32 v18;
	vm13 =	vgt.s32 v18, $0x0  }
0x10d: {  	v17 =	vcvt.s32.f32 v20;
	v18 =	vnsel vm13, $0x0, v18;
	vm14 =	vgt.s32 v20, $0x0;
	[tilespmem:s19+$0x1C980] =	vst v15  }
0x10e: {  	vm15 =	vgt.s32 v16, $0x0;
	v18 =	vmin.u32 v18, $0x1F;
	v21 =	vnsel vm14, $0x0, v20;
	v15 =	vld.idx.msk [tilespmem:v19+s4+$0x0], $0xffff  }
0x10f: {  	p0 =	por p1, p1;
	s18 =	simm.s32 $0x0;
	s15 =	simm.s32 $0x10;
	v20 =	vnsel vm15, $0x0, v16;
	v21 =	vmin.u32 v21, $0x1F;
	v19 =	vmul.u32 $0x21, v18;
	v18 =	vld.idx.msk [tilespmem:v22+s4+$0x0], $0xffff  }
.LBB2_8:
0x110: {  	p1 =	sne.s32 s15, $0x1F0;
	v16 =	vcvt.s32.f32 v16;
	v20 =	vmin.u32 v20, $0x1F;
	v21 =	vmul.u32 $0x441, v21;
	v11 =	vld.idx.msk [tilespmem:v11+s4+$0x0], $0xffff;
	s18 =	sadd.s32 $0x20, s18;
	s14 =	sadd.s32 $0x1, s14  }
0x111: {  	v12 =	vsub.f32 v12, v9;
	v13 =	vsub.f32 v13, v17;
	s21 =	smov.u32 s15;
	s15 =	sadd.s32 $0x10, s15;
	v9 =	vadd.s32 v20, v19;
	v10 =	vld.idx.msk [tilespmem:v10+s4+$0x0], $0xffff  }
0x112: {  	v14 =	vsub.f32 v14, v16;
	v9 =	vadd.s32 v21, v9;
	_ =	sdelay $0x1  }
0x113: {  	v16 =	vsub.f32 $1.000000000e+00, v12;
	v17 =	vshll.u32 v15, $0x10;
	v15 =	vmul.f32 v15, v8  }
0x114: {  	v17 =	vmul.f32 v17, v7;
	v19 =	vshll.u32 v18, $0x10;
	v18 =	vmul.f32 v18, v2  }
0x115: {  	v20 =	vadd.s32 $0x21, v9;
	v19 =	vmul.f32 v19, v3;
	v21 =	vshll.u32 v11, $0x10  }
0x116: {  	v11 =	vmul.f32 v11, v6;
	v21 =	vmul.f32 v21, v4;
	v22 =	vshll.u32 v10, $0x10  }
0x117: {  	v10 =	vmul.f32 v10, v5;
	v22 =	vmul.f32 v22, v1;
	v18 =	vadd.f32 v19, v18  }
0x118: {  	v15 =	vadd.f32 v17, v15;
	v19 =	vsub.f32 $1.000000000e+00, v14  }
0x119: {  	v17 =	vmul.f32 v12, v14;
	v11 =	vadd.f32 v21, v11;
	v10 =	vadd.f32 v22, v10  }
0x11a: {  	v21 =	vadd.s32 $0x118C2, v0;
	v12 =	vmul.f32 v12, v19;
	v15 =	vadd.f32 v18, v15  }
0x11b: {  	v18 =	vsub.f32 $1.000000000e+00, v13;
	v19 =	vmul.f32 v16, v19;
	v10 =	vadd.f32 v10, v11  }
0x11c: {  	v22 =	vadd.s32 $0x118E3, v0;
	v11 =	vmul.f32 v13, v12  }
0x11d: {  	v23 =	vmul.f32 v18, v17;
	v10 =	vadd.f32 v10, v15;
	v15 =	vadd.s32 $0x11D03, v0  }
0x11e: {  	v24 =	vadd.s32 $0x11D24, v0;
	v0 =	vmov v9  }
0x11f: {  	v12 =	vmul.f32 v18, v12;
	[tilespmem:s19+$0x1CD80] =	vst v10  }
0x120: {  	v10 =	vmul.f32 v19, v13;
	v21 =	vld.idx.msk [tilespmem:v21+s4+$0x0], $0xffff  }
0x121: {  	v22 =	vld.idx.msk [tilespmem:v22+s4+$0x0], $0xffff  }
0x122: {  	v15 =	vld.idx.msk [tilespmem:v15+s4+$0x0], $0xffff  }
0x123: {  	v24 =	vld.idx.msk [tilespmem:v24+s4+$0x0], $0xffff;
	_ =	sdelay $0x1  }
0x124: {  	s22 =	smin.u32 s14, $0x1F  }
0x125: {  	s23 =	sshll.u32 s22, $0x4;
	s22 =	sshll.u32 s22, $0x5;
	v25 =	vshll.u32 v21, $0x10;
	v8 =	vmul.f32 v21, v8  }
0x126: {  	s23 =	sand.u32 $0x70, s23;
	s22 =	sand.u32 $0x300, s22;
	v7 =	vmul.f32 v25, v7;
	v21 =	vshll.u32 v22, $0x10;
	v22 =	vmul.f32 v22, v2;
	v2 =	vmovc v23  }
0x127: {  	s22 =	sor.u32 s22, s23;
	v21 =	vmul.f32 v21, v3;
	v23 =	vshll.u32 v15, $0x10;
	v6 =	vmul.f32 v15, v6;
	v3 =	vmovc v12  }
0x128: {  	s22 =	sor.u32 s3, s22;
	v12 =	vmul.f32 v23, v4;
	v15 =	vshll.u32 v24, $0x10;
	v7 =	vadd.f32 v7, v8;
	v4 =	vmovc v10  }
0x129: {  	v5 =	vmul.f32 v24, v5;
	v8 =	vmul.f32 v15, v1;
	v10 =	vadd.f32 v21, v22;
	v1 =	vmovc v11  }
0x12a: {  	v6 =	vadd.f32 v12, v6  }
0x12b: {  	v7 =	vadd.f32 v10, v7;
	v5 =	vadd.f32 v8, v5;
	_ =	sdelay $0x1  }
0x12c: {  	v8 =	vadd.s32 $0x441, v9;
	v5 =	vadd.f32 v5, v6;
	_ =	sdelay $0x1  }
0x12d: {  	v6 =	vadd.s32 $0x462, v9;
	v5 =	vadd.f32 v5, v7;
	_ =	sdelay $0x1  }
0x12e: {  	[tilespmem:s19+$0x1D180] =	vst v5  }
0x12f: {  	v10 =	vld.idx.msk [tilespmem:v8+s4+$0x0], $0xffff  }
0x130: {  	v11 =	vld.idx.msk [tilespmem:v20+s4+$0x0], $0xffff  }
0x131: {  	v12 =	vld.idx.msk [tilespmem:v6+s4+$0x0], $0xffff  }
0x132: {  	v15 =	vld.idx.msk [tilespmem:v9+s4+$0x0], $0xffff  }
0x133: {  	v8 =	vmul.f32 v16, v14  }
0x134: {  	v5 =	vmul.f32 v13, v17  }
0x135: {  	v7 =	vmul.f32 v18, v19;
	v6 =	vmul.f32 v8, v13  }
0x136: {  	v8 =	vmul.f32 v18, v8;
	v13 =	vmul.f32 v11, v2  }
0x137: {  	v16 =	vmul.f32 v10, v6;
	v11 =	vshll.u32 v11, $0x10;
	v17 =	vshll.u32 v12, $0x10;
	v14 =	vld [tilespmem:s22+$0x1B580]  }
0x138: {  	v19 =	vshll.u32 v15, $0x10;
	v15 =	vmul.f32 v15, v8;
	v17 =	vmul.f32 v17, v1;
	v18 =	vld [tilespmem:s22+$0x1B980]  }
0x139: {  	v10 =	vshll.u32 v10, $0x10;
	v11 =	vmul.f32 v11, v3;
	v19 =	vmul.f32 v19, v7;
	v20 =	vld [tilespmem:s22+$0x1B180]  }
0x13a: {  	v21 =	vmul.f32 v10, v4;
	v10 =	vadd.s32 $0x90C3, v9;
	v22 =	vmul.f32 v12, v5  }
0x13b: {  	v15 =	vadd.f32 v19, v15;
	v19 =	vadd.f32 v11, v13;
	v11 =	vadd.s32 $0x90A2, v9  }
0x13c: {  	v16 =	vadd.f32 v21, v16;
	v17 =	vadd.f32 v17, v22;
	v12 =	vmul.f32 $3.199996760e+01, v14  }
0x13d: {  	v15 =	vadd.f32 v19, v15;
	v13 =	vmul.f32 $3.199996760e+01, v18;
	v18 =	vadd.s32 $0x8C61, v9  }
0x13e: {  	v16 =	vadd.f32 v17, v16;
	v14 =	vmul.f32 $3.199996760e+01, v20;
	v19 =	vtrunc.f32 v12  }
0x13f: {  	s19 =	sand.u32 $0x70, s21;
	s21 =	sand.u32 $0x300, s18;
	v22 =	vadd.s32 $0x8C82, v9;
	v19 =	vcvt.f32.s32 v19;
	v17 =	vtrunc.f32 v13  }
.Ltmp2:
0x140: {  	s19 =	sor.u32 s21, s19;
	v15 =	vadd.f32 v16, v15;
	v9 =	vtrunc.f32 v14;
	v20 =	vcvt.f32.s32 v17;
	(pc) =	sbr.rel @p1 .LBB2_8-.Ltmp2, $4  }
0x141: {  	s19 =	sor.u32 s3, s19;
	v16 =	vcvt.f32.s32 v9;
	v9 =	vcvt.s32.f32 v19;
	vm0 =	vgt.s32 v19, $0x0  }
0x142: {  	v17 =	vcvt.s32.f32 v20;
	v19 =	vnsel vm0, $0x0, v19;
	vm0 =	vgt.s32 v20, $0x0;
	[tilespmem:s19+$0x1C980] =	vst v15  }
0x143: {  	vm1 =	vgt.s32 v16, $0x0;
	v19 =	vmin.u32 v19, $0x1F;
	v21 =	vnsel vm0, $0x0, v20;
	v15 =	vld.idx.msk [tilespmem:v18+s4+$0x0], $0xffff  }
0x144: {  	v20 =	vnsel vm1, $0x0, v16;
	v21 =	vmin.u32 v21, $0x1F;
	v19 =	vmul.u32 $0x21, v19;
	v18 =	vld.idx.msk [tilespmem:v22+s4+$0x0], $0xffff  }
0x145: {  	_ =	sdelay $0x3  }
0x146: {  	v9 =	vld.idx.msk [tilespmem:v11+s4+$0x0], $0xffff  }
0x147: {  	v10 =	vld.idx.msk [tilespmem:v10+s4+$0x0], $0xffff;
	_ =	sdelay $0x1  }
0x148: {  	v45 =	vshll.u32 v15, $0x10  }
0x149: {  	v12 =	vmul.f32 v15, v8;
	v11 =	vmul.f32 v45, v7;
	v13 =	vshll.u32 v18, $0x10  }
0x14a: {  	v14 =	vmul.f32 v18, v2;
	v13 =	vmul.f32 v13, v3;
	v46 =	vshll.u32 v9, $0x10  }
0x14b: {  	v9 =	vmul.f32 v9, v6;
	v16 =	vshll.u32 v10, $0x10;
	v10 =	vmul.f32 v10, v5  }
0x14c: {  	v15 =	vmul.f32 v46, v4;
	v16 =	vmul.f32 v16, v1  }
0x14d: {  	v11 =	vadd.f32 v11, v12;
	v13 =	vadd.f32 v13, v14  }
0x14e: {  	v9 =	vadd.f32 v15, v9;
	v10 =	vadd.f32 v16, v10;
	_ =	sdelay $0x1  }
0x14f: {  	v47 =	vadd.s32 $0x118C2, v0;
	v11 =	vadd.f32 v13, v11;
	v9 =	vadd.f32 v10, v9  }
0x150: {  	v48 =	vadd.s32 $0x118E3, v0  }
0x151: {  	v49 =	vadd.s32 $0x11D03, v0;
	v9 =	vadd.f32 v9, v11  }
0x152: {  	v50 =	vadd.s32 $0x11D24, v0  }
0x153: {  	[tilespmem:s19+$0x1CD80] =	vst v9  }
0x154: {  	v9 =	vld.idx.msk [tilespmem:v47+s4+$0x0], $0xffff  }
0x155: {  	v10 =	vld.idx.msk [tilespmem:v48+s4+$0x0], $0xffff  }
0x156: {  	v11 =	vld.idx.msk [tilespmem:v49+s4+$0x0], $0xffff  }
0x157: {  	v0 =	vld.idx.msk [tilespmem:v50+s4+$0x0], $0xffff;
	_ =	sdelay $0x2  }
0x158: {  	v12 =	vshll.u32 v9, $0x10  }
0x159: {  	v51 =	vmul.f32 v9, v8;
	v53 =	vshll.u32 v10, $0x10;
	v54 =	vmul.f32 v10, v2  }
0x15a: {  	v57 =	vmul.f32 v11, v6;
	v59 =	vshll.u32 v0, $0x10;
	v0 =	vmul.f32 v0, v5  }
0x15b: {  	v56 =	vshll.u32 v11, $0x10;
	v52 =	vmul.f32 v12, v7;
	v55 =	vmul.f32 v53, v3  }
0x15c: {  	v58 =	vmul.f32 v56, v4;
	v60 =	vmul.f32 v59, v1  }
0x15d: {  	v61 =	vadd.f32 v52, v51;
	v2 =	vadd.f32 v55, v54  }
0x15e: {  	v62 =	vadd.f32 v58, v57;
	v0 =	vadd.f32 v60, v0;
	_ =	sdelay $0x1  }
.Ltmp3:
0x15f: {  	v63 =	vadd.f32 v2, v61;
	v0 =	vadd.f32 v0, v62;
	(pc) =	sbr.rel @p0 .LBB2_7-.Ltmp3, $3  }
0x160: {  	_ = 	snop  }
0x161: {  	v0 =	vadd.f32 v0, v63;
	_ =	sdelay $0x1  }
0x162: {  	s3 =	simm.s32 $0x80;
	p1 =	por $0x0, $0x0;
	[tilespmem:s19+$0x1D180] =	vst v0  }
0x163: {  	s3 =	sadd.s32 s2, s6;
	s20 =	sadd.s32 $0x1, s20  }
0x164: {  	[hbm4b:s3+s16] =	stream.strided.scatter [tilespmem:s30], [sflag:$0x4], $0x400, s17, s16, $0x38;
	[tilespmem:$0x1D580] =	vst v63  }
0x165: {  	p0 =	sne.s32 s20, $0x20  }
.Ltmp4:
0x166: {  	_ = 	snop;
	(pc) =	sbr.rel @p0 .LBB2_2-.Ltmp4, $4  }
0x167: {  	s25 =	sadd.s32 s2, s11  }
0x168: {  	[hbm4b:s25+s16] =	stream.strided.scatter [tilespmem:s31], [sflag:$0x4], $0x400, s17, s16, $0x38;
	[tilespmem:$0x1D580] =	vst v63  }
0x169: {  	s26 =	sadd.s32 s2, s12  }
0x16a: {  	[hbm4b:s26+s16] =	stream.strided.scatter [tilespmem:s0], [sflag:$0x4], $0x400, s17, s16, $0x38;
	[tilespmem:$0x1D580] =	vst v63  }
0x16b: {  	s3 =	simm.s32 $0x3  }
0x16c: {  	_ =	swait.ge [sflag:s3], $0x400  }
0x16d: {  	[sflag:s3] =	ssyncset.done $0x0  }
0x16e: {  	[sflag:s3] =	ssyncadd.s32 $0xFFFFFC00  }
0x16f: {  	_ =	swait.ge [sflag:s3], $0x400  }
0x170: {  	[sflag:s3] =	ssyncset.done $0x0  }
0x171: {  	[sflag:s3] =	ssyncadd.s32 $0xFFFFFC00  }
0x172: {  	_ =	swait.ge [sflag:s3], $0x400  }
0x173: {  	[sflag:s3] =	ssyncset.done $0x0  }
0x174: {  	s6 =	simm.s32 $0x4;
	[sflag:s3] =	ssyncadd.s32 $0xFFFFFC00  }
0x175: {  	_ =	swait.ge [sflag:s6], $0x400  }
0x176: {  	[sflag:s6] =	ssyncset.done $0x0  }
0x177: {  	[sflag:s6] =	ssyncadd.s32 $0xFFFFFC00  }
0x178: {  	_ =	swait.ge [sflag:s6], $0x400  }
0x179: {  	[sflag:s6] =	ssyncset.done $0x0  }
0x17a: {  	[sflag:s6] =	ssyncadd.s32 $0xFFFFFC00  }
0x17b: {  	_ =	swait.ge [sflag:s6], $0x400  }
0x17c: {  	s11 =	rddreg [dreg:$0x9]  }
0x17d: {  	s26 =	rddreg [dreg:$0x8];
	s11 =	sadd.s32 $0x1, s11  }
0x17e: {  	p0 =	sne.s32 s11, s26  }
.Ltmp5:
0x17f: {  	_ = 	snop;
	(pc) =	sbr.rel @p0 .LBB2_1-.Ltmp5, $3  }
0x180: {  	_ =	sdelay $0x1  }
0x181: {  	[sflag:s6] =	ssyncset.done $0x0  }
0x182: {  	[sflag:s6] =	ssyncadd.s32 $0xFFFFFC00  }
0x183: {  	_ =	sfence.sel $0x180000  }
0x184: {  	[bflag:$0x0] =	sbarrier.arrive $0xFFFF  }
0x185: {  	_ =	strace $0x90000047  }
0x186: {  	s0 =	stileid.u32;
	[bflag:$0x2] =	sbarrier.arrive $0xFFFF  }
0x187: {  	p0 =	sne.s32 s0, $0x0;
	s0 =	rddreg [dreg:$0x3]  }
0x188: {  	s0 =	sadd.s32 @!p0 $0x100000, s0  }
0x189: {  	[sflag:s0] =	ssyncadd.tile.s32 @!p0 $0x1;
	_ =	shalt  }
.Lfunc_end2:
_tile_overlayer_lowered:
.L_overlay_start_2:
0x18a: {  	(tag) =	ssettag $0x2  }
0x18b: {  	s0 =	rddreg [dreg:$0x0];
	s2 =	stileid.u32  }
0x18c: {  	s1 =	rddreg [dreg:$0x1];
	p0 =	sne.s32 s2, $0x0  }
0x18d: {  	s3 =	rddreg [dreg:$0x2];
	[bflag:$0x3] =	sbarrier.arrive $0xFFFF;
	s2 =	simm.s32 @!p0 $0x1C05  }
0x18e: {  	[timem:s3], [sflag:s2] =	dma.local @!p0 [hbm:s0], s1  }
0x18f: {  	s0 =	simm.s32 @!p0 $0x5  }
0x190: {  	_ =	swait.ge @!p0 [sflag:s0], s1  }
0x191: {  	s1 =	ssub.s32 @!p0 $0x0, s1;
	[sflag:s0] =	ssyncset.done @!p0 $0x0  }
0x192: {  	[sflag:s0] =	ssyncadd.s32 @!p0 s1  }
0x193: {  	[bflag:$0x3] =	sbarrier.arrive $0xFFFF  }
0x194: {  	_ =	shalt  }

</sc_bundles>
